<compile_context>
chip_gen: v7x
topology: tpu7x:2x2x1
jax: 0.10.2.dev20260603
libtpu: 0.0.44.dev20260713+nightly
codegen_flags: <defaults>
</compile_context>

<pallas_src>
import dataclasses
import functools

import jax
import jax.numpy as jnp
from jax import lax
from jax.experimental import pallas as pl
from jax.experimental.pallas import tpu as pltpu
from jax.experimental.pallas import tpu_sc as plsc

NC = 2
NS = 16
NW = NC * NS
CHUNK = 128
L = 16
PIPE = 3
NSLOT = 2 * PIPE

_INT_MIN = -2147483648


def _sc_mesh():
    return plsc.VectorSubcoreMesh(core_axis_name="c", subcore_axis_name="s")


def _sc_cp():
    cp = pltpu.CompilerParams()
    if "needs_layout_passes" in pltpu.CompilerParams.__dataclass_fields__:
        cp = dataclasses.replace(cp, needs_layout_passes=False)
    return cp


def _lane0(v):
    iota = lax.iota(jnp.int32, L)
    return lax.reduce_max(
        jnp.where(iota == 0, v, jnp.full((L,), _INT_MIN, jnp.int32)), (0,))


@functools.lru_cache(maxsize=None)
def _make_gather_plan(N, B, D):
    b_per_w = B // NW
    n_gch = b_per_w // CHUNK
    rows_per_w = N // NW
    win_sz = ((rows_per_w + L - 1) // L) * L
    n_win_vecs = win_sz // L
    max_ch = (rows_per_w + CHUNK - 1) // CHUNK + 1
    list_sz = max_ch * CHUNK

    @functools.partial(
        pl.kernel,
        out_type=[jax.ShapeDtypeStruct((B, D), jnp.float32),
                  jax.ShapeDtypeStruct((NW, max_ch, CHUNK), jnp.int32),
                  jax.ShapeDtypeStruct((NW, max_ch, CHUNK), jnp.int32),
                  jax.ShapeDtypeStruct((NW, L), jnp.int32)],
        mesh=_sc_mesh(),
        compiler_params=_sc_cp(),
        scratch_types=[
            pltpu.VMEM((B,), jnp.int32),
            pltpu.VMEM((b_per_w, D), jnp.float32),
            pltpu.VMEM((win_sz,), jnp.int32),
            pltpu.VMEM((list_sz,), jnp.int32),
            pltpu.VMEM((list_sz,), jnp.int32),
            pltpu.VMEM((max_ch, CHUNK), jnp.int32),
            pltpu.VMEM((max_ch, CHUNK), jnp.int32),
            pltpu.VMEM((L,), jnp.int32),
            pltpu.SemaphoreType.DMA,
        ],
    )
    def gather_plan_kernel(bank_hbm, idx_hbm, hobs_hbm, dst_hbm, src_hbm,
                           cnt_hbm, idx_all, rows_v, win_v, dstf, srcf,
                           dst2, src2, cnt_v, sem):
        wid = lax.axis_index("s") * NC + lax.axis_index("c")
        lo = wid * rows_per_w
        hi = lo + rows_per_w
        iota = lax.iota(jnp.int32, L)
        pltpu.sync_copy(idx_hbm, idx_all)

        def g_args(j):
            return (bank_hbm.at[idx_all.at[pl.ds(wid * b_per_w + j * CHUNK, CHUNK)]],
                    rows_v.at[pl.ds(j * CHUNK, CHUNK)], sem)

        for j in range(n_gch):
            pltpu.async_copy(*g_args(j))

        neg1 = jnp.full((L,), -1, jnp.int32)

        @pl.loop(0, n_win_vecs)
        def _(j):
            win_v[pl.ds(j * L, L)] = neg1

        @pl.loop(0, B // (4 * L))
        def _(i):
            for u in range(4):
                base = (4 * i + u) * L
                v = idx_all[pl.ds(base, L)]
                b = iota + base
                m = (v >= lo) & (v < hi)
                plsc.store_scatter(win_v.at[:], [v - lo], b, mask=m)

        def compact(j, off):
            wv = win_v[pl.ds(j * L, L)]
            m = wv >= 0
            rows = iota + (j * L + lo)
            plsc.store_compressed(dstf.at[pl.ds(off, L)], rows, mask=m)
            plsc.store_compressed(srcf.at[pl.ds(off, L)], wv, mask=m)
            return off + lax.reduce_max(plsc.all_reduce_population_count(m), (0,))

        cnt = lax.fori_loop(0, n_win_vecs, compact, jnp.int32(0))
        n_chunks = (cnt + CHUNK - 1) // CHUNK
        cnt_v[...] = jnp.full((L,), 0, jnp.int32) + n_chunks
        pltpu.sync_copy(cnt_v, cnt_hbm.at[wid])

        @pl.when(cnt > 0)
        def _():
            d0 = _lane0(dstf[pl.ds(0, L)])
            s0 = _lane0(srcf[pl.ds(0, L)])

            @pl.loop(0, (n_chunks * CHUNK - (cnt // L) * L) // L)
            def _(t):
                base = (cnt // L) * L + t * L
                keep = iota + base < cnt
                dv = dstf[pl.ds(base, L)]
                sv = srcf[pl.ds(base, L)]
                dstf[pl.ds(base, L)] = jnp.where(keep, dv, jnp.full((L,), 0, jnp.int32) + d0)
                srcf[pl.ds(base, L)] = jnp.where(keep, sv, jnp.full((L,), 0, jnp.int32) + s0)

            @pl.loop(0, n_chunks * (CHUNK // L))
            def _(k):
                c = k // (CHUNK // L)
                kk = lax.rem(k, jnp.int32(CHUNK // L))
                dst2[c, pl.ds(kk * L, L)] = dstf[pl.ds(k * L, L)]
                src2[c, pl.ds(kk * L, L)] = srcf[pl.ds(k * L, L)]

            pltpu.sync_copy(dst2, dst_hbm.at[wid])
            pltpu.sync_copy(src2, src_hbm.at[wid])

        for j in range(n_gch):
            pltpu.make_async_copy(*g_args(j)).wait()
        pltpu.sync_copy(rows_v, hobs_hbm.at[pl.ds(wid * b_per_w, b_per_w)])

    return gather_plan_kernel


@functools.lru_cache(maxsize=None)
def _make_scatter(N, B, D):
    rows_per_w = N // NW
    max_ch = (rows_per_w + CHUNK - 1) // CHUNK + 1

    @functools.partial(
        pl.kernel,
        out_type=(),
        mesh=_sc_mesh(),
        compiler_params=_sc_cp(),
        scratch_types=[
            pltpu.VMEM((max_ch, CHUNK), jnp.int32),
            pltpu.VMEM((max_ch, CHUNK), jnp.int32),
            pltpu.VMEM((L,), jnp.int32),
            pltpu.VMEM((NSLOT * CHUNK, D), jnp.float32),
            pltpu.SemaphoreType.DMA,
            pltpu.SemaphoreType.DMA,
        ],
    )
    def scatter_kernel(bank_ref, hnew_hbm, dst_hbm, src_hbm, cnt_hbm,
                       dst2, src2, cnt_v, rows_v, gsem, ssem):
        wid = lax.axis_index("s") * NC + lax.axis_index("c")
        pltpu.sync_copy(cnt_hbm.at[wid], cnt_v)
        n_chunks = _lane0(cnt_v[...])

        @pl.when(n_chunks > 0)
        def _():
            pltpu.sync_copy(dst_hbm.at[wid], dst2)
            pltpu.sync_copy(src_hbm.at[wid], src2)

            def g_args(c):
                slot = lax.rem(c, jnp.int32(NSLOT))
                return (hnew_hbm.at[src2.at[c]],
                        rows_v.at[pl.ds(slot * CHUNK, CHUNK)], gsem)

            def s_args(c):
                slot = lax.rem(c, jnp.int32(NSLOT))
                return (rows_v.at[pl.ds(slot * CHUNK, CHUNK)],
                        bank_ref.at[dst2.at[c]], ssem)

            def when_chunk(pred, fn):
                @pl.when(pred)
                def _():
                    fn()

            for c0 in range(PIPE):
                when_chunk(c0 < n_chunks,
                           lambda c=c0: pltpu.async_copy(*g_args(jnp.int32(c))))

            @pl.loop(0, n_chunks)
            def _(c):
                when_chunk(c >= PIPE,
                           lambda: pltpu.make_async_copy(*s_args(c - PIPE)).wait())
                pltpu.make_async_copy(*g_args(c)).wait()
                pltpu.async_copy(*s_args(c))
                when_chunk(c + PIPE < n_chunks,
                           lambda: pltpu.async_copy(*g_args(c + PIPE)))

            @pl.loop(lax.max(jnp.int32(0), n_chunks - PIPE), n_chunks)
            def _(c):
                pltpu.make_async_copy(*s_args(c)).wait()

    return scatter_kernel


def _gru_pallas(x, h, w_ihT, w_hhT, b_ih2, b_hh2, bank_in):
    B, D = x.shape
    H = h.shape[1]
    N = bank_in.shape[0]
    R = 8192

    def body(x_ref, h_ref, wi_ref, wh_ref, bi_ref, bh_ref, bank_ref,
             out_ref, bank_out_ref):
        del bank_ref, bank_out_ref
        xb = x_ref[...]
        hb = h_ref[...]
        gi = jnp.dot(xb, wi_ref[...], preferred_element_type=jnp.float32) + bi_ref[...]
        gh = jnp.dot(hb, wh_ref[...], preferred_element_type=jnp.float32) + bh_ref[...]
        r = jax.nn.sigmoid(gi[:, :H] + gh[:, :H])
        z = jax.nn.sigmoid(gi[:, H:2 * H] + gh[:, H:2 * H])
        n = jnp.tanh(gi[:, 2 * H:] + r * gh[:, 2 * H:])
        out_ref[...] = (1.0 - z) * n + z * hb

    return pl.pallas_call(
        body,
        grid=(B // R,),
        in_specs=[
            pl.BlockSpec((R, D), lambda i: (i, 0)),
            pl.BlockSpec((R, H), lambda i: (i, 0)),
            pl.BlockSpec((D, 3 * H), lambda i: (0, 0)),
            pl.BlockSpec((H, 3 * H), lambda i: (0, 0)),
            pl.BlockSpec((1, 3 * H), lambda i: (0, 0)),
            pl.BlockSpec((1, 3 * H), lambda i: (0, 0)),
            pl.BlockSpec(memory_space=pl.ANY),
        ],
        out_specs=[pl.BlockSpec((R, H), lambda i: (i, 0)),
                   pl.BlockSpec(memory_space=pl.ANY)],
        out_shape=[jax.ShapeDtypeStruct((B, H), jnp.float32),
                   jax.ShapeDtypeStruct((N, H), jnp.float32)],
        input_output_aliases={6: 1},
    )(x, h, w_ihT, w_hhT, b_ih2, b_hh2, bank_in)


def kernel(current_time, mgn_h, delta_t, X_obs, M_obs, i_obs, update,
           W_ih, W_hh, b_ih, b_hh):
    N, H = mgn_h.shape
    B, D = X_obs.shape
    ii = i_obs.astype(jnp.int32)

    h_obs, dst_plan, src_plan, cnt_plan = _make_gather_plan(N, B, H)(mgn_h, ii)
    h_new, bank_out = _gru_pallas(X_obs, h_obs, W_ih.T, W_hh.T,
                                  b_ih.reshape(1, -1), b_hh.reshape(1, -1),
                                  mgn_h)
    bank = jax.new_ref(bank_out)
    _make_scatter(N, B, H)(bank, h_new, dst_plan, src_plan, cnt_plan)
    return bank[...]

# --- scband reference (transcript-rebuilt; emitter-appended) ---
"""Pipeline reference for scband-mgn-gruode-29961691857381 (READ-ONLY COPY).

The authoritative reference and input builder live on the scoring server;
editing this copy changes nothing except your own understanding.
"""

import jax, jax.numpy as jnp
import numpy as np

N = 100000       # number of entities in the memory bank
D_IN = 32        # input_dim
N_DIM = 4        # memory_dim (n_dim)
H = D_IN * N_DIM # GRU hidden size = 128
B = 16384        # number of observed entities this step


def setup_inputs(seed: int = 0) -> dict:
    key = jax.random.key(seed)
    ks = jax.random.split(key, 8)
    mgn_h = jax.random.normal(ks[0], (N, H), dtype=jnp.float32)
    X_obs = jax.random.normal(ks[1], (B, D_IN), dtype=jnp.float32)
    M_obs = jax.random.uniform(ks[2], (B, D_IN), dtype=jnp.float32)
    i_obs = jax.random.randint(ks[3], (B,), 0, N)
    s = 1.0 / np.sqrt(H)
    W_ih = jax.random.uniform(ks[4], (3 * H, D_IN), dtype=jnp.float32, minval=-s, maxval=s)
    W_hh = jax.random.uniform(ks[5], (3 * H, H), dtype=jnp.float32, minval=-s, maxval=s)
    b_ih = jax.random.uniform(ks[6], (3 * H,), dtype=jnp.float32, minval=-s, maxval=s)
    b_hh = jax.random.uniform(ks[7], (3 * H,), dtype=jnp.float32, minval=-s, maxval=s)
    return {
        "current_time": jnp.float32(0.0),
        "mgn_h": mgn_h,
        "delta_t": jnp.float32(0.05),
        "X_obs": X_obs,
        "M_obs": M_obs,
        "i_obs": i_obs,
        "update": 1,
        "W_ih": W_ih,
        "W_hh": W_hh,
        "b_ih": b_ih,
        "b_hh": b_hh,
    }


def _gru_cell(x, h, W_ih, W_hh, b_ih, b_hh):
    # PyTorch nn.GRUCell semantics
    gi = x @ W_ih.T + b_ih
    gh = h @ W_hh.T + b_hh
    i_r, i_z, i_n = jnp.split(gi, 3, axis=1)
    h_r, h_z, h_n = jnp.split(gh, 3, axis=1)
    r = jax.nn.sigmoid(i_r + h_r)
    z = jax.nn.sigmoid(i_z + h_z)
    n = jnp.tanh(i_n + r * h_n)
    return (1.0 - z) * n + z * h


def reference(current_time, mgn_h, delta_t, X_obs, M_obs, i_obs, update, W_ih, W_hh, b_ih, b_hh):
    # update branch of mgn_GRUODE.forward (update=True):
    #   temp_h = mgn_h.clone(); temp_h[i_obs] = GRUCell(X_obs, mgn_h[i_obs])
    # gather observed rows from memory
    h_obs = jnp.take(mgn_h, i_obs, axis=0)
    h_new = _gru_cell(X_obs, h_obs, W_ih, W_hh, b_ih, b_hh)
    # scatter-overwrite updated states back into the memory bank
    mgn_h = mgn_h.at[i_obs].set(h_new)
    return mgn_h


if False:  # reference __main__ guard neutralized (emitter)
    out = reference(**setup_inputs())
    print(out.shape, out.dtype)

if __name__ == "__main__":
    import jax
    _d = setup_inputs()
    print(jax.jit(kernel)(*tuple(_d.values())))

</pallas_src>

<mosaic_0001>
#map = affine_map<(d0, d1) -> (0, 0)>
#map1 = affine_map<(d0, d1) -> (0, 0, 0)>
module attributes {stable_mosaic.version = 14 : i64} {
  func.func @new_body(%arg0: i32, %arg1: i32, %arg2: memref<100000x128xf32, #tpu.memory_space<hbm>>, %arg3: memref<16384x128xf32, #tpu.memory_space<hbm>>, %arg4: memref<32x26x128xi32, #tpu.memory_space<hbm>>, %arg5: memref<32x26x128xi32, #tpu.memory_space<hbm>>, %arg6: memref<32x16xi32, #tpu.memory_space<hbm>>, %arg7: memref<100000x128xf32, #tpu.memory_space<hbm>>, %arg8: memref<26x128xi32, #tpu.memory_space<vmem>>, %arg9: memref<26x128xi32, #tpu.memory_space<vmem>>, %arg10: memref<16xi32, #tpu.memory_space<vmem>>, %arg11: memref<768x128xf32, #tpu.memory_space<vmem>>, %arg12: memref<!tpu.dma_semaphore, #tpu.memory_space<semaphore_mem>>, %arg13: memref<!tpu.dma_semaphore, #tpu.memory_space<semaphore_mem>>) attributes {dimension_semantics = [#tpu.dimension_semantics<core_parallel>, #tpu.dimension_semantics<subcore_parallel>], iteration_bounds = array<i64: 2, 16>, scalar_prefetch = 0 : i64, scratch_operands = 6 : i64, tpu.core_type = #tpu.core_type<sc_vector_subcore>, window_params = [{transform_indices = #map}, {transform_indices = #map}, {transform_indices = #map1}, {transform_indices = #map1}, {transform_indices = #map}, {transform_indices = #map}]} {
    %mul3A = arith.constant 2 : i32
    %mul3A_0 = arith.muli %arg1, %mul3A : i32
    %add3A = arith.addi %mul3A_0, %arg0 : i32
    "tpu.region"() ({
      %run_scoped3A = tpu.sem_alloc : memref<!tpu.dma_semaphore, #tpu.memory_space<semaphore_mem>>
      %dma_start3A = arith.constant 0 : i32
      %dma_start3A_14 = tpu.memref_slice %arg6[%add3A, %dma_start3A] : memref<32x16xi32, #tpu.memory_space<hbm>> -> memref<1x16xi32, #tpu.memory_space<hbm>>
      %dma_start3A_15 = tpu.memref_squeeze %dma_start3A_14 : memref<1x16xi32, #tpu.memory_space<hbm>> -> memref<16xi32, #tpu.memory_space<hbm>>
      %dma_start3A_16 = arith.constant 0 : i32
      %dma_start3A_17 = tpu.memref_slice %arg6[%add3A, %dma_start3A_16] : memref<32x16xi32, #tpu.memory_space<hbm>> -> memref<1x16xi32, #tpu.memory_space<hbm>>
      %dma_start3A_18 = tpu.memref_squeeze %dma_start3A_17 : memref<1x16xi32, #tpu.memory_space<hbm>> -> memref<16xi32, #tpu.memory_space<hbm>>
      tpu.enqueue_dma source(%dma_start3A_18 : memref<16xi32, #tpu.memory_space<hbm>>) target(%arg10 : memref<16xi32, #tpu.memory_space<vmem>>) target_semaphore(%run_scoped3A : memref<!tpu.dma_semaphore, #tpu.memory_space<semaphore_mem>>)
      %dma_wait3A = arith.constant 0 : i32
      %dma_wait3A_19 = tpu.memref_slice %arg6[%add3A, %dma_wait3A] : memref<32x16xi32, #tpu.memory_space<hbm>> -> memref<1x16xi32, #tpu.memory_space<hbm>>
      %dma_wait3A_20 = tpu.memref_squeeze %dma_wait3A_19 : memref<1x16xi32, #tpu.memory_space<hbm>> -> memref<16xi32, #tpu.memory_space<hbm>>
      %dma_wait3A_21 = arith.constant 0 : i32
      %dma_wait3A_22 = tpu.memref_slice %arg6[%add3A, %dma_wait3A_21] : memref<32x16xi32, #tpu.memory_space<hbm>> -> memref<1x16xi32, #tpu.memory_space<hbm>>
      %dma_wait3A_23 = tpu.memref_squeeze %dma_wait3A_22 : memref<1x16xi32, #tpu.memory_space<hbm>> -> memref<16xi32, #tpu.memory_space<hbm>>
      tpu.wait_dma2 semaphore(%run_scoped3A : memref<!tpu.dma_semaphore, #tpu.memory_space<semaphore_mem>>) src(%dma_wait3A_23 : memref<16xi32, #tpu.memory_space<hbm>>) dst(%arg10 : memref<16xi32, #tpu.memory_space<vmem>>)
      tpu.yield
    }) : () -> ()
    %get3A = arith.constant 0 : index
    %get3A_1 = tpu.vector_load %arg10[%get3A] {strides = array<i32>} : memref<16xi32, #tpu.memory_space<vmem>>, vector<16xi32>,
    %iota3A = tpu.iota {dimensions = array<i32: 0>} : vector<16xi32>
    %eq3A = arith.constant 0 : i32
    %eq3A_2 = vector.broadcast %eq3A : i32 to vector<16xi32>
    %eq3A_3 = arith.cmpi eq, %iota3A, %eq3A_2 : vector<16xi32>
    %broadcast_in_dim3A = arith.constant -2147483648 : i32
    %broadcast_in_dim3A_4 = vector.broadcast %broadcast_in_dim3A : i32 to vector<16xi32>
    %select_n3A = arith.select %eq3A_3, %get3A_1, %broadcast_in_dim3A_4 : vector<16xi1>, vector<16xi32>
    %reduce_max3A = arith.constant true
    %reduce_max3A_5 = vector.broadcast %reduce_max3A : i1 to vector<16xi1>
    %reduce_max3A_6 = arith.constant -2147483648 : i32
    %reduce_max3A_7 = vector.broadcast %reduce_max3A_6 : i32 to vector<16xi32>
    %reduce_max3A_8 = arith.xori %select_n3A, %reduce_max3A_7 : vector<16xi32>
    %reduce_max3A_9 = tpu.scan <max>, %reduce_max3A_8 masked %reduce_max3A_5 : vector<16xi32>, vector<16xi1> -> vector<16xi32>
    %reduce_max3A_10 = arith.xori %reduce_max3A_9, %reduce_max3A_7 : vector<16xi32>
    %reduce_max3A_11 = vector.extract %reduce_max3A_10[15] : i32 from vector<16xi32>
    %gt3A = arith.constant 0 : i32
    %gt3A_12 = arith.cmpi sgt, %reduce_max3A_11, %gt3A : i32
    %convert_element_type3A = arith.extui %gt3A_12 : i1 to i32
    %cond3A = arith.constant 0 : i32
    %cond3A_13 = arith.cmpi ne, %convert_element_type3A, %cond3A : i32
    scf.if %cond3A_13 {
      "tpu.region"() ({
        %run_scoped3A = tpu.sem_alloc : memref<!tpu.dma_semaphore, #tpu.memory_space<semaphore_mem>>
        %dma_start3A = arith.constant 0 : i32
        %dma_start3A_65 = arith.constant 0 : i32
        %dma_start3A_66 = tpu.memref_slice %arg4[%add3A, %dma_start3A, %dma_start3A_65] : memref<32x26x128xi32, #tpu.memory_space<hbm>> -> memref<1x26x128xi32, #tpu.memory_space<hbm>>
        %dma_start3A_67 = tpu.memref_squeeze %dma_start3A_66 : memref<1x26x128xi32, #tpu.memory_space<hbm>> -> memref<26x128xi32, #tpu.memory_space<hbm>>
        %dma_start3A_68 = arith.constant 0 : i32
        %dma_start3A_69 = arith.constant 0 : i32
        %dma_start3A_70 = tpu.memref_slice %arg4[%add3A, %dma_start3A_68, %dma_start3A_69] : memref<32x26x128xi32, #tpu.memory_space<hbm>> -> memref<1x26x128xi32, #tpu.memory_space<hbm>>
        %dma_start3A_71 = tpu.memref_squeeze %dma_start3A_70 : memref<1x26x128xi32, #tpu.memory_space<hbm>> -> memref<26x128xi32, #tpu.memory_space<hbm>>
        tpu.enqueue_dma source(%dma_start3A_71 : memref<26x128xi32, #tpu.memory_space<hbm>>) target(%arg8 : memref<26x128xi32, #tpu.memory_space<vmem>>) target_semaphore(%run_scoped3A : memref<!tpu.dma_semaphore, #tpu.memory_space<semaphore_mem>>)
        %dma_wait3A = arith.constant 0 : i32
        %dma_wait3A_72 = arith.constant 0 : i32
        %dma_wait3A_73 = tpu.memref_slice %arg4[%add3A, %dma_wait3A, %dma_wait3A_72] : memref<32x26x128xi32, #tpu.memory_space<hbm>> -> memref<1x26x128xi32, #tpu.memory_space<hbm>>
        %dma_wait3A_74 = tpu.memref_squeeze %dma_wait3A_73 : memref<1x26x128xi32, #tpu.memory_space<hbm>> -> memref<26x128xi32, #tpu.memory_space<hbm>>
        %dma_wait3A_75 = arith.constant 0 : i32
        %dma_wait3A_76 = arith.constant 0 : i32
        %dma_wait3A_77 = tpu.memref_slice %arg4[%add3A, %dma_wait3A_75, %dma_wait3A_76] : memref<32x26x128xi32, #tpu.memory_space<hbm>> -> memref<1x26x128xi32, #tpu.memory_space<hbm>>
        %dma_wait3A_78 = tpu.memref_squeeze %dma_wait3A_77 : memref<1x26x128xi32, #tpu.memory_space<hbm>> -> memref<26x128xi32, #tpu.memory_space<hbm>>
        tpu.wait_dma2 semaphore(%run_scoped3A : memref<!tpu.dma_semaphore, #tpu.memory_space<semaphore_mem>>) src(%dma_wait3A_78 : memref<26x128xi32, #tpu.memory_space<hbm>>) dst(%arg8 : memref<26x128xi32, #tpu.memory_space<vmem>>)
        tpu.yield
      }) : () -> ()
      "tpu.region"() ({
        %run_scoped3A = tpu.sem_alloc : memref<!tpu.dma_semaphore, #tpu.memory_space<semaphore_mem>>
        %dma_start3A = arith.constant 0 : i32
        %dma_start3A_65 = arith.constant 0 : i32
        %dma_start3A_66 = tpu.memref_slice %arg5[%add3A, %dma_start3A, %dma_start3A_65] : memref<32x26x128xi32, #tpu.memory_space<hbm>> -> memref<1x26x128xi32, #tpu.memory_space<hbm>>
        %dma_start3A_67 = tpu.memref_squeeze %dma_start3A_66 : memref<1x26x128xi32, #tpu.memory_space<hbm>> -> memref<26x128xi32, #tpu.memory_space<hbm>>
        %dma_start3A_68 = arith.constant 0 : i32
        %dma_start3A_69 = arith.constant 0 : i32
        %dma_start3A_70 = tpu.memref_slice %arg5[%add3A, %dma_start3A_68, %dma_start3A_69] : memref<32x26x128xi32, #tpu.memory_space<hbm>> -> memref<1x26x128xi32, #tpu.memory_space<hbm>>
        %dma_start3A_71 = tpu.memref_squeeze %dma_start3A_70 : memref<1x26x128xi32, #tpu.memory_space<hbm>> -> memref<26x128xi32, #tpu.memory_space<hbm>>
        tpu.enqueue_dma source(%dma_start3A_71 : memref<26x128xi32, #tpu.memory_space<hbm>>) target(%arg9 : memref<26x128xi32, #tpu.memory_space<vmem>>) target_semaphore(%run_scoped3A : memref<!tpu.dma_semaphore, #tpu.memory_space<semaphore_mem>>)
        %dma_wait3A = arith.constant 0 : i32
        %dma_wait3A_72 = arith.constant 0 : i32
        %dma_wait3A_73 = tpu.memref_slice %arg5[%add3A, %dma_wait3A, %dma_wait3A_72] : memref<32x26x128xi32, #tpu.memory_space<hbm>> -> memref<1x26x128xi32, #tpu.memory_space<hbm>>
        %dma_wait3A_74 = tpu.memref_squeeze %dma_wait3A_73 : memref<1x26x128xi32, #tpu.memory_space<hbm>> -> memref<26x128xi32, #tpu.memory_space<hbm>>
        %dma_wait3A_75 = arith.constant 0 : i32
        %dma_wait3A_76 = arith.constant 0 : i32
        %dma_wait3A_77 = tpu.memref_slice %arg5[%add3A, %dma_wait3A_75, %dma_wait3A_76] : memref<32x26x128xi32, #tpu.memory_space<hbm>> -> memref<1x26x128xi32, #tpu.memory_space<hbm>>
        %dma_wait3A_78 = tpu.memref_squeeze %dma_wait3A_77 : memref<1x26x128xi32, #tpu.memory_space<hbm>> -> memref<26x128xi32, #tpu.memory_space<hbm>>
        tpu.wait_dma2 semaphore(%run_scoped3A : memref<!tpu.dma_semaphore, #tpu.memory_space<semaphore_mem>>) src(%dma_wait3A_78 : memref<26x128xi32, #tpu.memory_space<hbm>>) dst(%arg9 : memref<26x128xi32, #tpu.memory_space<vmem>>)
        tpu.yield
      }) : () -> ()
      %gt3A_14 = arith.constant 0 : i32
      %gt3A_15 = arith.cmpi sgt, %reduce_max3A_11, %gt3A_14 : i32
      %convert_element_type3A_16 = arith.extui %gt3A_15 : i1 to i32
      %cond3A_17 = arith.constant 0 : i32
      %cond3A_18 = arith.cmpi ne, %convert_element_type3A_16, %cond3A_17 : i32
      scf.if %cond3A_18 {
        %rem3A = arith.constant 0 : i32
        %rem3A_65 = arith.constant 6 : i32
        %rem3A_66 = arith.remsi %rem3A, %rem3A_65 : i32
        %mul3A_67 = arith.constant 128 : i32
        %mul3A_68 = arith.muli %rem3A_66, %mul3A_67 : i32
        %dma_start3A = arith.constant 0 : i32
        %dma_start3A_69 = arith.constant 0 : i32
        %dma_start3A_70 = tpu.memref_slice %arg11[%mul3A_68, %dma_start3A_69] : memref<768x128xf32, #tpu.memory_space<vmem>> -> memref<128x128xf32, #tpu.memory_space<vmem>>
        %dma_start3A_71 = arith.constant 0 : i32
        %dma_start3A_72 = tpu.memref_slice %arg9[%dma_start3A, %dma_start3A_71] : memref<26x128xi32, #tpu.memory_space<vmem>> -> memref<1x128xi32, #tpu.memory_space<vmem>>
        %dma_start3A_73 = tpu.memref_squeeze %dma_start3A_72 : memref<1x128xi32, #tpu.memory_space<vmem>> -> memref<128xi32, #tpu.memory_space<vmem>>
        %dma_start3A_74 = arith.constant 0 : i32
        %dma_start3A_75 = arith.constant 0 : i32
        %dma_start3A_76 = tpu.memref_slice %arg3[%dma_start3A_74, %dma_start3A_75] : memref<16384x128xf32, #tpu.memory_space<hbm>> -> memref<16384x128xf32, #tpu.memory_space<hbm>>
        tpu.enqueue_indirect_dma source(%dma_start3A_76 : memref<16384x128xf32, #tpu.memory_space<hbm>>) target(%dma_start3A_70 : memref<128x128xf32, #tpu.memory_space<vmem>>) offsets(%dma_start3A_73 : memref<128xi32, #tpu.memory_space<vmem>>) semaphore(%arg12 : memref<!tpu.dma_semaphore, #tpu.memory_space<semaphore_mem>>)
      } else {
      }
      %gt3A_19 = arith.constant 1 : i32
      %gt3A_20 = arith.cmpi sgt, %reduce_max3A_11, %gt3A_19 : i32
      %convert_element_type3A_21 = arith.extui %gt3A_20 : i1 to i32
      %cond3A_22 = arith.constant 0 : i32
      %cond3A_23 = arith.cmpi ne, %convert_element_type3A_21, %cond3A_22 : i32
      scf.if %cond3A_23 {
        %rem3A = arith.constant 1 : i32
        %rem3A_65 = arith.constant 6 : i32
        %rem3A_66 = arith.remsi %rem3A, %rem3A_65 : i32
        %mul3A_67 = arith.constant 128 : i32
        %mul3A_68 = arith.muli %rem3A_66, %mul3A_67 : i32
        %dma_start3A = arith.constant 1 : i32
        %dma_start3A_69 = arith.constant 0 : i32
        %dma_start3A_70 = tpu.memref_slice %arg11[%mul3A_68, %dma_start3A_69] : memref<768x128xf32, #tpu.memory_space<vmem>> -> memref<128x128xf32, #tpu.memory_space<vmem>>
        %dma_start3A_71 = arith.constant 0 : i32
        %dma_start3A_72 = tpu.memref_slice %arg9[%dma_start3A, %dma_start3A_71] : memref<26x128xi32, #tpu.memory_space<vmem>> -> memref<1x128xi32, #tpu.memory_space<vmem>>
        %dma_start3A_73 = tpu.memref_squeeze %dma_start3A_72 : memref<1x128xi32, #tpu.memory_space<vmem>> -> memref<128xi32, #tpu.memory_space<vmem>>
        %dma_start3A_74 = arith.constant 0 : i32
        %dma_start3A_75 = arith.constant 0 : i32
        %dma_start3A_76 = tpu.memref_slice %arg3[%dma_start3A_74, %dma_start3A_75] : memref<16384x128xf32, #tpu.memory_space<hbm>> -> memref<16384x128xf32, #tpu.memory_space<hbm>>
        tpu.enqueue_indirect_dma source(%dma_start3A_76 : memref<16384x128xf32, #tpu.memory_space<hbm>>) target(%dma_start3A_70 : memref<128x128xf32, #tpu.memory_space<vmem>>) offsets(%dma_start3A_73 : memref<128xi32, #tpu.memory_space<vmem>>) semaphore(%arg12 : memref<!tpu.dma_semaphore, #tpu.memory_space<semaphore_mem>>)
      } else {
      }
      %gt3A_24 = arith.constant 2 : i32
      %gt3A_25 = arith.cmpi sgt, %reduce_max3A_11, %gt3A_24 : i32
      %convert_element_type3A_26 = arith.extui %gt3A_25 : i1 to i32
      %cond3A_27 = arith.constant 0 : i32
      %cond3A_28 = arith.cmpi ne, %convert_element_type3A_26, %cond3A_27 : i32
      scf.if %cond3A_28 {
        %rem3A = arith.constant 2 : i32
        %rem3A_65 = arith.constant 6 : i32
        %rem3A_66 = arith.remsi %rem3A, %rem3A_65 : i32
        %mul3A_67 = arith.constant 128 : i32
        %mul3A_68 = arith.muli %rem3A_66, %mul3A_67 : i32
        %dma_start3A = arith.constant 2 : i32
        %dma_start3A_69 = arith.constant 0 : i32
        %dma_start3A_70 = tpu.memref_slice %arg11[%mul3A_68, %dma_start3A_69] : memref<768x128xf32, #tpu.memory_space<vmem>> -> memref<128x128xf32, #tpu.memory_space<vmem>>
        %dma_start3A_71 = arith.constant 0 : i32
        %dma_start3A_72 = tpu.memref_slice %arg9[%dma_start3A, %dma_start3A_71] : memref<26x128xi32, #tpu.memory_space<vmem>> -> memref<1x128xi32, #tpu.memory_space<vmem>>
        %dma_start3A_73 = tpu.memref_squeeze %dma_start3A_72 : memref<1x128xi32, #tpu.memory_space<vmem>> -> memref<128xi32, #tpu.memory_space<vmem>>
        %dma_start3A_74 = arith.constant 0 : i32
        %dma_start3A_75 = arith.constant 0 : i32
        %dma_start3A_76 = tpu.memref_slice %arg3[%dma_start3A_74, %dma_start3A_75] : memref<16384x128xf32, #tpu.memory_space<hbm>> -> memref<16384x128xf32, #tpu.memory_space<hbm>>
        tpu.enqueue_indirect_dma source(%dma_start3A_76 : memref<16384x128xf32, #tpu.memory_space<hbm>>) target(%dma_start3A_70 : memref<128x128xf32, #tpu.memory_space<vmem>>) offsets(%dma_start3A_73 : memref<128xi32, #tpu.memory_space<vmem>>) semaphore(%arg12 : memref<!tpu.dma_semaphore, #tpu.memory_space<semaphore_mem>>)
      } else {
      }
      %sub3A = arith.constant 0 : i32
      %sub3A_29 = arith.subi %reduce_max3A_11, %sub3A : i32
      %sub3A_30 = arith.constant 1 : i32
      %sub3A_31 = arith.constant 1 : i32
      %sub3A_32 = arith.subi %sub3A_30, %sub3A_31 : i32
      %add3A_33 = arith.addi %sub3A_29, %sub3A_32 : i32
      %div3A = arith.constant 1 : i32
      %div3A_34 = arith.divsi %add3A_33, %div3A : i32
      %while3A = arith.constant 1 : i32
      %while3A_35 = arith.constant 0 : i32
      %while3A_36 = arith.constant 0 : i32
      %while3A_37 = arith.subi %div3A_34, %while3A_36 : i32
      %while3A_38 = arith.addi %while3A_36, %while3A_37 : i32
      %while3A_39 = arith.constant 1 : i32
      %while3A_40 = arith.divsi %while3A_37, %while3A_39 : i32
      %while3A_41 = arith.muli %while3A_40, %while3A_39 : i32
      %while3A_42 = arith.addi %while3A_36, %while3A_41 : i32
      %while3A_43 = arith.constant 1 : i32
      scf.for %while3A_65 = %while3A_36 to %while3A_42 step %while3A_43  : i32 {
        %mul3A_66 = arith.muli %while3A_65, %while3A : i32
        %add3A_67 = arith.addi %while3A_35, %mul3A_66 : i32
        %ge3A = arith.constant 3 : i32
        %ge3A_68 = arith.cmpi sge, %add3A_67, %ge3A : i32
        %convert_element_type3A_69 = arith.extui %ge3A_68 : i1 to i32
        %cond3A_70 = arith.constant 0 : i32
        %cond3A_71 = arith.cmpi ne, %convert_element_type3A_69, %cond3A_70 : i32
        scf.if %cond3A_71 {
          %sub3A_98 = arith.constant 3 : i32
          %sub3A_99 = arith.subi %add3A_67, %sub3A_98 : i32
          %rem3A_100 = arith.constant 6 : i32
          %rem3A_101 = arith.remsi %sub3A_99, %rem3A_100 : i32
          %mul3A_102 = arith.constant 128 : i32
          %mul3A_103 = arith.muli %rem3A_101, %mul3A_102 : i32
          %dma_wait3A_104 = arith.constant 0 : i32
          %dma_wait3A_105 = tpu.memref_slice %arg11[%mul3A_103, %dma_wait3A_104] : memref<768x128xf32, #tpu.memory_space<vmem>> -> memref<128x128xf32, #tpu.memory_space<vmem>>
          %dma_wait3A_106 = arith.constant 0 : i32
          %dma_wait3A_107 = tpu.memref_slice %arg8[%sub3A_99, %dma_wait3A_106] : memref<26x128xi32, #tpu.memory_space<vmem>> -> memref<1x128xi32, #tpu.memory_space<vmem>>
          %dma_wait3A_108 = tpu.memref_squeeze %dma_wait3A_107 : memref<1x128xi32, #tpu.memory_space<vmem>> -> memref<128xi32, #tpu.memory_space<vmem>>
          %dma_wait3A_109 = arith.constant 0 : i32
          %dma_wait3A_110 = arith.constant 0 : i32
          %dma_wait3A_111 = tpu.memref_slice %arg2[%dma_wait3A_109, %dma_wait3A_110] : memref<100000x128xf32, #tpu.memory_space<hbm>> -> memref<100000x128xf32, #tpu.memory_space<hbm>>
          tpu.wait_indirect_dma semaphore(%arg13 : memref<!tpu.dma_semaphore, #tpu.memory_space<semaphore_mem>>) src(%dma_wait3A_105 : memref<128x128xf32, #tpu.memory_space<vmem>>) dst(%dma_wait3A_111 : memref<100000x128xf32, #tpu.memory_space<hbm>>)
        } else {
        }
        %rem3A = arith.constant 6 : i32
        %rem3A_72 = arith.remsi %add3A_67, %rem3A : i32
        %mul3A_73 = arith.constant 128 : i32
        %mul3A_74 = arith.muli %rem3A_72, %mul3A_73 : i32
        %dma_wait3A = arith.constant 0 : i32
        %dma_wait3A_75 = tpu.memref_slice %arg11[%mul3A_74, %dma_wait3A] : memref<768x128xf32, #tpu.memory_space<vmem>> -> memref<128x128xf32, #tpu.memory_space<vmem>>
        %dma_wait3A_76 = arith.constant 0 : i32
        %dma_wait3A_77 = tpu.memref_slice %arg9[%add3A_67, %dma_wait3A_76] : memref<26x128xi32, #tpu.memory_space<vmem>> -> memref<1x128xi32, #tpu.memory_space<vmem>>
        %dma_wait3A_78 = tpu.memref_squeeze %dma_wait3A_77 : memref<1x128xi32, #tpu.memory_space<vmem>> -> memref<128xi32, #tpu.memory_space<vmem>>
        %dma_wait3A_79 = arith.constant 0 : i32
        %dma_wait3A_80 = arith.constant 0 : i32
        %dma_wait3A_81 = tpu.memref_slice %arg3[%dma_wait3A_79, %dma_wait3A_80] : memref<16384x128xf32, #tpu.memory_space<hbm>> -> memref<16384x128xf32, #tpu.memory_space<hbm>>
        tpu.wait_indirect_dma semaphore(%arg12 : memref<!tpu.dma_semaphore, #tpu.memory_space<semaphore_mem>>) src(%dma_wait3A_81 : memref<16384x128xf32, #tpu.memory_space<hbm>>) dst(%dma_wait3A_75 : memref<128x128xf32, #tpu.memory_space<vmem>>)
        %rem3A_82 = arith.constant 6 : i32
        %rem3A_83 = arith.remsi %add3A_67, %rem3A_82 : i32
        %mul3A_84 = arith.constant 128 : i32
        %mul3A_85 = arith.muli %rem3A_83, %mul3A_84 : i32
        %dma_start3A = arith.constant 0 : i32
        %dma_start3A_86 = tpu.memref_slice %arg11[%mul3A_85, %dma_start3A] : memref<768x128xf32, #tpu.memory_space<vmem>> -> memref<128x128xf32, #tpu.memory_space<vmem>>
        %dma_start3A_87 = arith.constant 0 : i32
        %dma_start3A_88 = tpu.memref_slice %arg8[%add3A_67, %dma_start3A_87] : memref<26x128xi32, #tpu.memory_space<vmem>> -> memref<1x128xi32, #tpu.memory_space<vmem>>
        %dma_start3A_89 = tpu.memref_squeeze %dma_start3A_88 : memref<1x128xi32, #tpu.memory_space<vmem>> -> memref<128xi32, #tpu.memory_space<vmem>>
        %dma_start3A_90 = arith.constant 0 : i32
        %dma_start3A_91 = arith.constant 0 : i32
        %dma_start3A_92 = tpu.memref_slice %arg2[%dma_start3A_90, %dma_start3A_91] : memref<100000x128xf32, #tpu.memory_space<hbm>> -> memref<100000x128xf32, #tpu.memory_space<hbm>>
        tpu.enqueue_indirect_dma source(%dma_start3A_86 : memref<128x128xf32, #tpu.memory_space<vmem>>) target(%dma_start3A_92 : memref<100000x128xf32, #tpu.memory_space<hbm>>) offsets(%dma_start3A_89 : memref<128xi32, #tpu.memory_space<vmem>>) semaphore(%arg13 : memref<!tpu.dma_semaphore, #tpu.memory_space<semaphore_mem>>)
        %add3A_93 = arith.constant 3 : i32
        %add3A_94 = arith.addi %add3A_67, %add3A_93 : i32
        %lt3A = arith.cmpi slt, %add3A_94, %reduce_max3A_11 : i32
        %convert_element_type3A_95 = arith.extui %lt3A : i1 to i32
        %cond3A_96 = arith.constant 0 : i32
        %cond3A_97 = arith.cmpi ne, %convert_element_type3A_95, %cond3A_96 : i32
        scf.if %cond3A_97 {
          %add3A_98 = arith.constant 3 : i32
          %add3A_99 = arith.addi %add3A_67, %add3A_98 : i32
          %rem3A_100 = arith.constant 6 : i32
          %rem3A_101 = arith.remsi %add3A_99, %rem3A_100 : i32
          %mul3A_102 = arith.constant 128 : i32
          %mul3A_103 = arith.muli %rem3A_101, %mul3A_102 : i32
          %dma_start3A_104 = arith.constant 0 : i32
          %dma_start3A_105 = tpu.memref_slice %arg11[%mul3A_103, %dma_start3A_104] : memref<768x128xf32, #tpu.memory_space<vmem>> -> memref<128x128xf32, #tpu.memory_space<vmem>>
          %dma_start3A_106 = arith.constant 0 : i32
          %dma_start3A_107 = tpu.memref_slice %arg9[%add3A_99, %dma_start3A_106] : memref<26x128xi32, #tpu.memory_space<vmem>> -> memref<1x128xi32, #tpu.memory_space<vmem>>
          %dma_start3A_108 = tpu.memref_squeeze %dma_start3A_107 : memref<1x128xi32, #tpu.memory_space<vmem>> -> memref<128xi32, #tpu.memory_space<vmem>>
          %dma_start3A_109 = arith.constant 0 : i32
          %dma_start3A_110 = arith.constant 0 : i32
          %dma_start3A_111 = tpu.memref_slice %arg3[%dma_start3A_109, %dma_start3A_110] : memref<16384x128xf32, #tpu.memory_space<hbm>> -> memref<16384x128xf32, #tpu.memory_space<hbm>>
          tpu.enqueue_indirect_dma source(%dma_start3A_111 : memref<16384x128xf32, #tpu.memory_space<hbm>>) target(%dma_start3A_105 : memref<128x128xf32, #tpu.memory_space<vmem>>) offsets(%dma_start3A_108 : memref<128xi32, #tpu.memory_space<vmem>>) semaphore(%arg12 : memref<!tpu.dma_semaphore, #tpu.memory_space<semaphore_mem>>)
        } else {
        }
      }
      %while3A_44 = arith.constant 1 : i32
      scf.for %while3A_65 = %while3A_42 to %while3A_38 step %while3A_44  : i32 {
        %mul3A_66 = arith.muli %while3A_65, %while3A : i32
        %add3A_67 = arith.addi %while3A_35, %mul3A_66 : i32
        %ge3A = arith.constant 3 : i32
        %ge3A_68 = arith.cmpi sge, %add3A_67, %ge3A : i32
        %convert_element_type3A_69 = arith.extui %ge3A_68 : i1 to i32
        %cond3A_70 = arith.constant 0 : i32
        %cond3A_71 = arith.cmpi ne, %convert_element_type3A_69, %cond3A_70 : i32
        scf.if %cond3A_71 {
          %sub3A_98 = arith.constant 3 : i32
          %sub3A_99 = arith.subi %add3A_67, %sub3A_98 : i32
          %rem3A_100 = arith.constant 6 : i32
          %rem3A_101 = arith.remsi %sub3A_99, %rem3A_100 : i32
          %mul3A_102 = arith.constant 128 : i32
          %mul3A_103 = arith.muli %rem3A_101, %mul3A_102 : i32
          %dma_wait3A_104 = arith.constant 0 : i32
          %dma_wait3A_105 = tpu.memref_slice %arg11[%mul3A_103, %dma_wait3A_104] : memref<768x128xf32, #tpu.memory_space<vmem>> -> memref<128x128xf32, #tpu.memory_space<vmem>>
          %dma_wait3A_106 = arith.constant 0 : i32
          %dma_wait3A_107 = tpu.memref_slice %arg8[%sub3A_99, %dma_wait3A_106] : memref<26x128xi32, #tpu.memory_space<vmem>> -> memref<1x128xi32, #tpu.memory_space<vmem>>
          %dma_wait3A_108 = tpu.memref_squeeze %dma_wait3A_107 : memref<1x128xi32, #tpu.memory_space<vmem>> -> memref<128xi32, #tpu.memory_space<vmem>>
          %dma_wait3A_109 = arith.constant 0 : i32
          %dma_wait3A_110 = arith.constant 0 : i32
          %dma_wait3A_111 = tpu.memref_slice %arg2[%dma_wait3A_109, %dma_wait3A_110] : memref<100000x128xf32, #tpu.memory_space<hbm>> -> memref<100000x128xf32, #tpu.memory_space<hbm>>
          tpu.wait_indirect_dma semaphore(%arg13 : memref<!tpu.dma_semaphore, #tpu.memory_space<semaphore_mem>>) src(%dma_wait3A_105 : memref<128x128xf32, #tpu.memory_space<vmem>>) dst(%dma_wait3A_111 : memref<100000x128xf32, #tpu.memory_space<hbm>>)
        } else {
        }
        %rem3A = arith.constant 6 : i32
        %rem3A_72 = arith.remsi %add3A_67, %rem3A : i32
        %mul3A_73 = arith.constant 128 : i32
        %mul3A_74 = arith.muli %rem3A_72, %mul3A_73 : i32
        %dma_wait3A = arith.constant 0 : i32
        %dma_wait3A_75 = tpu.memref_slice %arg11[%mul3A_74, %dma_wait3A] : memref<768x128xf32, #tpu.memory_space<vmem>> -> memref<128x128xf32, #tpu.memory_space<vmem>>
        %dma_wait3A_76 = arith.constant 0 : i32
        %dma_wait3A_77 = tpu.memref_slice %arg9[%add3A_67, %dma_wait3A_76] : memref<26x128xi32, #tpu.memory_space<vmem>> -> memref<1x128xi32, #tpu.memory_space<vmem>>
        %dma_wait3A_78 = tpu.memref_squeeze %dma_wait3A_77 : memref<1x128xi32, #tpu.memory_space<vmem>> -> memref<128xi32, #tpu.memory_space<vmem>>
        %dma_wait3A_79 = arith.constant 0 : i32
        %dma_wait3A_80 = arith.constant 0 : i32
        %dma_wait3A_81 = tpu.memref_slice %arg3[%dma_wait3A_79, %dma_wait3A_80] : memref<16384x128xf32, #tpu.memory_space<hbm>> -> memref<16384x128xf32, #tpu.memory_space<hbm>>
        tpu.wait_indirect_dma semaphore(%arg12 : memref<!tpu.dma_semaphore, #tpu.memory_space<semaphore_mem>>) src(%dma_wait3A_81 : memref<16384x128xf32, #tpu.memory_space<hbm>>) dst(%dma_wait3A_75 : memref<128x128xf32, #tpu.memory_space<vmem>>)
        %rem3A_82 = arith.constant 6 : i32
        %rem3A_83 = arith.remsi %add3A_67, %rem3A_82 : i32
        %mul3A_84 = arith.constant 128 : i32
        %mul3A_85 = arith.muli %rem3A_83, %mul3A_84 : i32
        %dma_start3A = arith.constant 0 : i32
        %dma_start3A_86 = tpu.memref_slice %arg11[%mul3A_85, %dma_start3A] : memref<768x128xf32, #tpu.memory_space<vmem>> -> memref<128x128xf32, #tpu.memory_space<vmem>>
        %dma_start3A_87 = arith.constant 0 : i32
        %dma_start3A_88 = tpu.memref_slice %arg8[%add3A_67, %dma_start3A_87] : memref<26x128xi32, #tpu.memory_space<vmem>> -> memref<1x128xi32, #tpu.memory_space<vmem>>
        %dma_start3A_89 = tpu.memref_squeeze %dma_start3A_88 : memref<1x128xi32, #tpu.memory_space<vmem>> -> memref<128xi32, #tpu.memory_space<vmem>>
        %dma_start3A_90 = arith.constant 0 : i32
        %dma_start3A_91 = arith.constant 0 : i32
        %dma_start3A_92 = tpu.memref_slice %arg2[%dma_start3A_90, %dma_start3A_91] : memref<100000x128xf32, #tpu.memory_space<hbm>> -> memref<100000x128xf32, #tpu.memory_space<hbm>>
        tpu.enqueue_indirect_dma source(%dma_start3A_86 : memref<128x128xf32, #tpu.memory_space<vmem>>) target(%dma_start3A_92 : memref<100000x128xf32, #tpu.memory_space<hbm>>) offsets(%dma_start3A_89 : memref<128xi32, #tpu.memory_space<vmem>>) semaphore(%arg13 : memref<!tpu.dma_semaphore, #tpu.memory_space<semaphore_mem>>)
        %add3A_93 = arith.constant 3 : i32
        %add3A_94 = arith.addi %add3A_67, %add3A_93 : i32
        %lt3A = arith.cmpi slt, %add3A_94, %reduce_max3A_11 : i32
        %convert_element_type3A_95 = arith.extui %lt3A : i1 to i32
        %cond3A_96 = arith.constant 0 : i32
        %cond3A_97 = arith.cmpi ne, %convert_element_type3A_95, %cond3A_96 : i32
        scf.if %cond3A_97 {
          %add3A_98 = arith.constant 3 : i32
          %add3A_99 = arith.addi %add3A_67, %add3A_98 : i32
          %rem3A_100 = arith.constant 6 : i32
          %rem3A_101 = arith.remsi %add3A_99, %rem3A_100 : i32
          %mul3A_102 = arith.constant 128 : i32
          %mul3A_103 = arith.muli %rem3A_101, %mul3A_102 : i32
          %dma_start3A_104 = arith.constant 0 : i32
          %dma_start3A_105 = tpu.memref_slice %arg11[%mul3A_103, %dma_start3A_104] : memref<768x128xf32, #tpu.memory_space<vmem>> -> memref<128x128xf32, #tpu.memory_space<vmem>>
          %dma_start3A_106 = arith.constant 0 : i32
          %dma_start3A_107 = tpu.memref_slice %arg9[%add3A_99, %dma_start3A_106] : memref<26x128xi32, #tpu.memory_space<vmem>> -> memref<1x128xi32, #tpu.memory_space<vmem>>
          %dma_start3A_108 = tpu.memref_squeeze %dma_start3A_107 : memref<1x128xi32, #tpu.memory_space<vmem>> -> memref<128xi32, #tpu.memory_space<vmem>>
          %dma_start3A_109 = arith.constant 0 : i32
          %dma_start3A_110 = arith.constant 0 : i32
          %dma_start3A_111 = tpu.memref_slice %arg3[%dma_start3A_109, %dma_start3A_110] : memref<16384x128xf32, #tpu.memory_space<hbm>> -> memref<16384x128xf32, #tpu.memory_space<hbm>>
          tpu.enqueue_indirect_dma source(%dma_start3A_111 : memref<16384x128xf32, #tpu.memory_space<hbm>>) target(%dma_start3A_105 : memref<128x128xf32, #tpu.memory_space<vmem>>) offsets(%dma_start3A_108 : memref<128xi32, #tpu.memory_space<vmem>>) semaphore(%arg12 : memref<!tpu.dma_semaphore, #tpu.memory_space<semaphore_mem>>)
        } else {
        }
      }
      %sub3A_45 = arith.constant 3 : i32
      %sub3A_46 = arith.subi %reduce_max3A_11, %sub3A_45 : i32
      %max3A = arith.constant 0 : i32
      %max3A_47 = arith.maxsi %max3A, %sub3A_46 : i32
      %sub3A_48 = arith.subi %reduce_max3A_11, %max3A_47 : i32
      %sub3A_49 = arith.constant 1 : i32
      %sub3A_50 = arith.constant 1 : i32
      %sub3A_51 = arith.subi %sub3A_49, %sub3A_50 : i32
      %add3A_52 = arith.addi %sub3A_48, %sub3A_51 : i32
      %div3A_53 = arith.constant 1 : i32
      %div3A_54 = arith.divsi %add3A_52, %div3A_53 : i32
      %while3A_55 = arith.constant 1 : i32
      %while3A_56 = arith.constant 0 : i32
      %while3A_57 = arith.subi %div3A_54, %while3A_56 : i32
      %while3A_58 = arith.addi %while3A_56, %while3A_57 : i32
      %while3A_59 = arith.constant 1 : i32
      %while3A_60 = arith.divsi %while3A_57, %while3A_59 : i32
      %while3A_61 = arith.muli %while3A_60, %while3A_59 : i32
      %while3A_62 = arith.addi %while3A_56, %while3A_61 : i32
      %while3A_63 = arith.constant 1 : i32
      scf.for %while3A_65 = %while3A_56 to %while3A_62 step %while3A_63  : i32 {
        %mul3A_66 = arith.muli %while3A_65, %while3A_55 : i32
        %add3A_67 = arith.addi %max3A_47, %mul3A_66 : i32
        %rem3A = arith.constant 6 : i32
        %rem3A_68 = arith.remsi %add3A_67, %rem3A : i32
        %mul3A_69 = arith.constant 128 : i32
        %mul3A_70 = arith.muli %rem3A_68, %mul3A_69 : i32
        %dma_wait3A = arith.constant 0 : i32
        %dma_wait3A_71 = tpu.memref_slice %arg11[%mul3A_70, %dma_wait3A] : memref<768x128xf32, #tpu.memory_space<vmem>> -> memref<128x128xf32, #tpu.memory_space<vmem>>
        %dma_wait3A_72 = arith.constant 0 : i32
        %dma_wait3A_73 = tpu.memref_slice %arg8[%add3A_67, %dma_wait3A_72] : memref<26x128xi32, #tpu.memory_space<vmem>> -> memref<1x128xi32, #tpu.memory_space<vmem>>
        %dma_wait3A_74 = tpu.memref_squeeze %dma_wait3A_73 : memref<1x128xi32, #tpu.memory_space<vmem>> -> memref<128xi32, #tpu.memory_space<vmem>>
        %dma_wait3A_75 = arith.constant 0 : i32
        %dma_wait3A_76 = arith.constant 0 : i32
        %dma_wait3A_77 = tpu.memref_slice %arg2[%dma_wait3A_75, %dma_wait3A_76] : memref<100000x128xf32, #tpu.memory_space<hbm>> -> memref<100000x128xf32, #tpu.memory_space<hbm>>
        tpu.wait_indirect_dma semaphore(%arg13 : memref<!tpu.dma_semaphore, #tpu.memory_space<semaphore_mem>>) src(%dma_wait3A_71 : memref<128x128xf32, #tpu.memory_space<vmem>>) dst(%dma_wait3A_77 : memref<100000x128xf32, #tpu.memory_space<hbm>>)
      }
      %while3A_64 = arith.constant 1 : i32
      scf.for %while3A_65 = %while3A_62 to %while3A_58 step %while3A_64  : i32 {
        %mul3A_66 = arith.muli %while3A_65, %while3A_55 : i32
        %add3A_67 = arith.addi %max3A_47, %mul3A_66 : i32
        %rem3A = arith.constant 6 : i32
        %rem3A_68 = arith.remsi %add3A_67, %rem3A : i32
        %mul3A_69 = arith.constant 128 : i32
        %mul3A_70 = arith.muli %rem3A_68, %mul3A_69 : i32
        %dma_wait3A = arith.constant 0 : i32
        %dma_wait3A_71 = tpu.memref_slice %arg11[%mul3A_70, %dma_wait3A] : memref<768x128xf32, #tpu.memory_space<vmem>> -> memref<128x128xf32, #tpu.memory_space<vmem>>
        %dma_wait3A_72 = arith.constant 0 : i32
        %dma_wait3A_73 = tpu.memref_slice %arg8[%add3A_67, %dma_wait3A_72] : memref<26x128xi32, #tpu.memory_space<vmem>> -> memref<1x128xi32, #tpu.memory_space<vmem>>
        %dma_wait3A_74 = tpu.memref_squeeze %dma_wait3A_73 : memref<1x128xi32, #tpu.memory_space<vmem>> -> memref<128xi32, #tpu.memory_space<vmem>>
        %dma_wait3A_75 = arith.constant 0 : i32
        %dma_wait3A_76 = arith.constant 0 : i32
        %dma_wait3A_77 = tpu.memref_slice %arg2[%dma_wait3A_75, %dma_wait3A_76] : memref<100000x128xf32, #tpu.memory_space<hbm>> -> memref<100000x128xf32, #tpu.memory_space<hbm>>
        tpu.wait_indirect_dma semaphore(%arg13 : memref<!tpu.dma_semaphore, #tpu.memory_space<semaphore_mem>>) src(%dma_wait3A_71 : memref<128x128xf32, #tpu.memory_space<vmem>>) dst(%dma_wait3A_77 : memref<100000x128xf32, #tpu.memory_space<hbm>>)
      }
    } else {
    }
    return
  }
}

#map = affine_map<(d0, d1) -> (0, 0)>
#map1 = affine_map<(d0, d1) -> (0)>
#map2 = affine_map<(d0, d1) -> (0, 0, 0)>
module attributes {stable_mosaic.version = 14 : i64} {
  func.func @gather_plan_kernel(%arg0: i32, %arg1: i32, %arg2: memref<100000x128xf32, #tpu.memory_space<hbm>>, %arg3: memref<16384xi32, #tpu.memory_space<hbm>>, %arg4: memref<16384x128xf32, #tpu.memory_space<hbm>>, %arg5: memref<32x26x128xi32, #tpu.memory_space<hbm>>, %arg6: memref<32x26x128xi32, #tpu.memory_space<hbm>>, %arg7: memref<32x16xi32, #tpu.memory_space<hbm>>, %arg8: memref<16384xi32, #tpu.memory_space<vmem>>, %arg9: memref<512x128xf32, #tpu.memory_space<vmem>>, %arg10: memref<3136xi32, #tpu.memory_space<vmem>>, %arg11: memref<3328xi32, #tpu.memory_space<vmem>>, %arg12: memref<3328xi32, #tpu.memory_space<vmem>>, %arg13: memref<26x128xi32, #tpu.memory_space<vmem>>, %arg14: memref<26x128xi32, #tpu.memory_space<vmem>>, %arg15: memref<16xi32, #tpu.memory_space<vmem>>, %arg16: memref<!tpu.dma_semaphore, #tpu.memory_space<semaphore_mem>>) attributes {dimension_semantics = [#tpu.dimension_semantics<core_parallel>, #tpu.dimension_semantics<subcore_parallel>], iteration_bounds = array<i64: 2, 16>, scalar_prefetch = 0 : i64, scratch_operands = 9 : i64, tpu.core_type = #tpu.core_type<sc_vector_subcore>, window_params = [{transform_indices = #map}, {transform_indices = #map1}, {transform_indices = #map}, {transform_indices = #map2}, {transform_indices = #map2}, {transform_indices = #map}]} {
    %mul3A = arith.constant 2 : i32
    %mul3A_0 = arith.muli %arg1, %mul3A : i32
    %add3A = arith.addi %mul3A_0, %arg0 : i32
    %mul3A_1 = arith.constant 3125 : i32
    %mul3A_2 = arith.muli %add3A, %mul3A_1 : i32
    %add3A_3 = arith.constant 3125 : i32
    %add3A_4 = arith.addi %mul3A_2, %add3A_3 : i32
    %iota3A = tpu.iota {dimensions = array<i32: 0>} : vector<16xi32>
    "tpu.region"() ({
      %run_scoped3A = tpu.sem_alloc : memref<!tpu.dma_semaphore, #tpu.memory_space<semaphore_mem>>
      tpu.enqueue_dma source(%arg3 : memref<16384xi32, #tpu.memory_space<hbm>>) target(%arg8 : memref<16384xi32, #tpu.memory_space<vmem>>) target_semaphore(%run_scoped3A : memref<!tpu.dma_semaphore, #tpu.memory_space<semaphore_mem>>)
      tpu.wait_dma2 semaphore(%run_scoped3A : memref<!tpu.dma_semaphore, #tpu.memory_space<semaphore_mem>>) src(%arg3 : memref<16384xi32, #tpu.memory_space<hbm>>) dst(%arg8 : memref<16384xi32, #tpu.memory_space<vmem>>)
      tpu.yield
    }) : () -> ()
    %mul3A_5 = arith.constant 512 : i32
    %mul3A_6 = arith.muli %add3A, %mul3A_5 : i32
    %add3A_7 = arith.constant 0 : i32
    %add3A_8 = arith.addi %mul3A_6, %add3A_7 : i32
    %dma_start3A = arith.constant 0 : i32
    %dma_start3A_9 = arith.constant 0 : i32
    %dma_start3A_10 = tpu.memref_slice %arg9[%dma_start3A, %dma_start3A_9] : memref<512x128xf32, #tpu.memory_space<vmem>> -> memref<128x128xf32, #tpu.memory_space<vmem>>
    %dma_start3A_11 = tpu.memref_slice %arg8[%add3A_8] : memref<16384xi32, #tpu.memory_space<vmem>> -> memref<128xi32, #tpu.memory_space<vmem>>
    %dma_start3A_12 = arith.constant 0 : i32
    %dma_start3A_13 = arith.constant 0 : i32
    %dma_start3A_14 = tpu.memref_slice %arg2[%dma_start3A_12, %dma_start3A_13] : memref<100000x128xf32, #tpu.memory_space<hbm>> -> memref<100000x128xf32, #tpu.memory_space<hbm>>
    tpu.enqueue_indirect_dma source(%dma_start3A_14 : memref<100000x128xf32, #tpu.memory_space<hbm>>) target(%dma_start3A_10 : memref<128x128xf32, #tpu.memory_space<vmem>>) offsets(%dma_start3A_11 : memref<128xi32, #tpu.memory_space<vmem>>) semaphore(%arg16 : memref<!tpu.dma_semaphore, #tpu.memory_space<semaphore_mem>>)
    %mul3A_15 = arith.constant 512 : i32
    %mul3A_16 = arith.muli %add3A, %mul3A_15 : i32
    %add3A_17 = arith.constant 128 : i32
    %add3A_18 = arith.addi %mul3A_16, %add3A_17 : i32
    %dma_start3A_19 = arith.constant 128 : i32
    %dma_start3A_20 = arith.constant 0 : i32
    %dma_start3A_21 = tpu.memref_slice %arg9[%dma_start3A_19, %dma_start3A_20] : memref<512x128xf32, #tpu.memory_space<vmem>> -> memref<128x128xf32, #tpu.memory_space<vmem>>
    %dma_start3A_22 = tpu.memref_slice %arg8[%add3A_18] : memref<16384xi32, #tpu.memory_space<vmem>> -> memref<128xi32, #tpu.memory_space<vmem>>
    %dma_start3A_23 = arith.constant 0 : i32
    %dma_start3A_24 = arith.constant 0 : i32
    %dma_start3A_25 = tpu.memref_slice %arg2[%dma_start3A_23, %dma_start3A_24] : memref<100000x128xf32, #tpu.memory_space<hbm>> -> memref<100000x128xf32, #tpu.memory_space<hbm>>
    tpu.enqueue_indirect_dma source(%dma_start3A_25 : memref<100000x128xf32, #tpu.memory_space<hbm>>) target(%dma_start3A_21 : memref<128x128xf32, #tpu.memory_space<vmem>>) offsets(%dma_start3A_22 : memref<128xi32, #tpu.memory_space<vmem>>) semaphore(%arg16 : memref<!tpu.dma_semaphore, #tpu.memory_space<semaphore_mem>>)
    %mul3A_26 = arith.constant 512 : i32
    %mul3A_27 = arith.muli %add3A, %mul3A_26 : i32
    %add3A_28 = arith.constant 256 : i32
    %add3A_29 = arith.addi %mul3A_27, %add3A_28 : i32
    %dma_start3A_30 = arith.constant 256 : i32
    %dma_start3A_31 = arith.constant 0 : i32
    %dma_start3A_32 = tpu.memref_slice %arg9[%dma_start3A_30, %dma_start3A_31] : memref<512x128xf32, #tpu.memory_space<vmem>> -> memref<128x128xf32, #tpu.memory_space<vmem>>
    %dma_start3A_33 = tpu.memref_slice %arg8[%add3A_29] : memref<16384xi32, #tpu.memory_space<vmem>> -> memref<128xi32, #tpu.memory_space<vmem>>
    %dma_start3A_34 = arith.constant 0 : i32
    %dma_start3A_35 = arith.constant 0 : i32
    %dma_start3A_36 = tpu.memref_slice %arg2[%dma_start3A_34, %dma_start3A_35] : memref<100000x128xf32, #tpu.memory_space<hbm>> -> memref<100000x128xf32, #tpu.memory_space<hbm>>
    tpu.enqueue_indirect_dma source(%dma_start3A_36 : memref<100000x128xf32, #tpu.memory_space<hbm>>) target(%dma_start3A_32 : memref<128x128xf32, #tpu.memory_space<vmem>>) offsets(%dma_start3A_33 : memref<128xi32, #tpu.memory_space<vmem>>) semaphore(%arg16 : memref<!tpu.dma_semaphore, #tpu.memory_space<semaphore_mem>>)
    %mul3A_37 = arith.constant 512 : i32
    %mul3A_38 = arith.muli %add3A, %mul3A_37 : i32
    %add3A_39 = arith.constant 384 : i32
    %add3A_40 = arith.addi %mul3A_38, %add3A_39 : i32
    %dma_start3A_41 = arith.constant 384 : i32
    %dma_start3A_42 = arith.constant 0 : i32
    %dma_start3A_43 = tpu.memref_slice %arg9[%dma_start3A_41, %dma_start3A_42] : memref<512x128xf32, #tpu.memory_space<vmem>> -> memref<128x128xf32, #tpu.memory_space<vmem>>
    %dma_start3A_44 = tpu.memref_slice %arg8[%add3A_40] : memref<16384xi32, #tpu.memory_space<vmem>> -> memref<128xi32, #tpu.memory_space<vmem>>
    %dma_start3A_45 = arith.constant 0 : i32
    %dma_start3A_46 = arith.constant 0 : i32
    %dma_start3A_47 = tpu.memref_slice %arg2[%dma_start3A_45, %dma_start3A_46] : memref<100000x128xf32, #tpu.memory_space<hbm>> -> memref<100000x128xf32, #tpu.memory_space<hbm>>
    tpu.enqueue_indirect_dma source(%dma_start3A_47 : memref<100000x128xf32, #tpu.memory_space<hbm>>) target(%dma_start3A_43 : memref<128x128xf32, #tpu.memory_space<vmem>>) offsets(%dma_start3A_44 : memref<128xi32, #tpu.memory_space<vmem>>) semaphore(%arg16 : memref<!tpu.dma_semaphore, #tpu.memory_space<semaphore_mem>>)
    %broadcast_in_dim3A = arith.constant -1 : i32
    %broadcast_in_dim3A_48 = vector.broadcast %broadcast_in_dim3A : i32 to vector<16xi32>
    %scan3A = arith.constant 0 : i32
    %scan3A_49 = arith.constant 196 : i32
    %scan3A_50 = arith.addi %scan3A, %scan3A_49 : i32
    %scan3A_51 = arith.constant 1 : i32
    scf.for %scan3A_137 = %scan3A to %scan3A_50 step %scan3A_51  : i32 {
      %mul3A_138 = arith.constant 1 : i32
      %mul3A_139 = arith.muli %scan3A_137, %mul3A_138 : i32
      %add3A_140 = arith.constant 0 : i32
      %add3A_141 = arith.addi %add3A_140, %mul3A_139 : i32
      %mul3A_142 = arith.constant 16 : i32
      %mul3A_143 = arith.muli %add3A_141, %mul3A_142 : i32
      %swap3A_144 = arith.index_cast %mul3A_143 : i32 to index
      %swap3A_145 = tpu.vector_load %arg10[%swap3A_144] {strides = array<i32>} : memref<3136xi32, #tpu.memory_space<vmem>>, vector<16xi32>,
      tpu.vector_store %arg10[%swap3A_144], %broadcast_in_dim3A_48 {strides = array<i32>} : memref<3136xi32, #tpu.memory_space<vmem>>, vector<16xi32>,
    }
    %scan3A_52 = arith.constant 196 : i32
    %scan3A_53 = arith.constant 0 : i32
    %scan3A_54 = arith.constant 256 : i32
    %scan3A_55 = arith.addi %scan3A_53, %scan3A_54 : i32
    %scan3A_56 = arith.constant 1 : i32
    scf.for %scan3A_137 = %scan3A_53 to %scan3A_55 step %scan3A_56  : i32 {
      %mul3A_138 = arith.constant 1 : i32
      %mul3A_139 = arith.muli %scan3A_137, %mul3A_138 : i32
      %add3A_140 = arith.constant 0 : i32
      %add3A_141 = arith.addi %add3A_140, %mul3A_139 : i32
      %mul3A_142 = arith.constant 4 : i32
      %mul3A_143 = arith.muli %mul3A_142, %add3A_141 : i32
      %add3A_144 = arith.constant 0 : i32
      %add3A_145 = arith.addi %mul3A_143, %add3A_144 : i32
      %mul3A_146 = arith.constant 16 : i32
      %mul3A_147 = arith.muli %add3A_145, %mul3A_146 : i32
      %get3A = arith.index_cast %mul3A_147 : i32 to index
      %get3A_148 = tpu.vector_load %arg8[%get3A] {strides = array<i32>} : memref<16384xi32, #tpu.memory_space<vmem>>, vector<16xi32>,
      %add3A_149 = vector.broadcast %mul3A_147 : i32 to vector<16xi32>
      %add3A_150 = arith.addi %iota3A, %add3A_149 : vector<16xi32>
      %ge3A = vector.broadcast %mul3A_2 : i32 to vector<16xi32>
      %ge3A_151 = arith.cmpi sge, %get3A_148, %ge3A : vector<16xi32>
      %lt3A = vector.broadcast %add3A_4 : i32 to vector<16xi32>
      %lt3A_152 = arith.cmpi slt, %get3A_148, %lt3A : vector<16xi32>
      %and3A_153 = arith.andi %ge3A_151, %lt3A_152 : vector<16xi1>
      %sub3A_154 = vector.broadcast %mul3A_2 : i32 to vector<16xi32>
      %sub3A_155 = arith.subi %get3A_148, %sub3A_154 : vector<16xi32>
      %scatter3A = arith.constant 0 : i32
      %scatter3A_156 = tpu.memref_slice %arg10[%scatter3A] : memref<3136xi32, #tpu.memory_space<vmem>> -> memref<3136xi32, #tpu.memory_space<vmem>>
      tpu.vector_store_idx %scatter3A_156[%sub3A_155], %add3A_150 masked %and3A_153 : memref<3136xi32, #tpu.memory_space<vmem>>[vector<16xi32>], vector<16xi32>, vector<16xi1>
      %mul3A_157 = arith.constant 4 : i32
      %mul3A_158 = arith.muli %mul3A_157, %add3A_141 : i32
      %add3A_159 = arith.constant 1 : i32
      %add3A_160 = arith.addi %mul3A_158, %add3A_159 : i32
      %mul3A_161 = arith.constant 16 : i32
      %mul3A_162 = arith.muli %add3A_160, %mul3A_161 : i32
      %get3A_163 = arith.index_cast %mul3A_162 : i32 to index
      %get3A_164 = tpu.vector_load %arg8[%get3A_163] {strides = array<i32>} : memref<16384xi32, #tpu.memory_space<vmem>>, vector<16xi32>,
      %add3A_165 = vector.broadcast %mul3A_162 : i32 to vector<16xi32>
      %add3A_166 = arith.addi %iota3A, %add3A_165 : vector<16xi32>
      %ge3A_167 = vector.broadcast %mul3A_2 : i32 to vector<16xi32>
      %ge3A_168 = arith.cmpi sge, %get3A_164, %ge3A_167 : vector<16xi32>
      %lt3A_169 = vector.broadcast %add3A_4 : i32 to vector<16xi32>
      %lt3A_170 = arith.cmpi slt, %get3A_164, %lt3A_169 : vector<16xi32>
      %and3A_171 = arith.andi %ge3A_168, %lt3A_170 : vector<16xi1>
      %sub3A_172 = vector.broadcast %mul3A_2 : i32 to vector<16xi32>
      %sub3A_173 = arith.subi %get3A_164, %sub3A_172 : vector<16xi32>
      %scatter3A_174 = arith.constant 0 : i32
      %scatter3A_175 = tpu.memref_slice %arg10[%scatter3A_174] : memref<3136xi32, #tpu.memory_space<vmem>> -> memref<3136xi32, #tpu.memory_space<vmem>>
      tpu.vector_store_idx %scatter3A_175[%sub3A_173], %add3A_166 masked %and3A_171 : memref<3136xi32, #tpu.memory_space<vmem>>[vector<16xi32>], vector<16xi32>, vector<16xi1>
      %mul3A_176 = arith.constant 4 : i32
      %mul3A_177 = arith.muli %mul3A_176, %add3A_141 : i32
      %add3A_178 = arith.constant 2 : i32
      %add3A_179 = arith.addi %mul3A_177, %add3A_178 : i32
      %mul3A_180 = arith.constant 16 : i32
      %mul3A_181 = arith.muli %add3A_179, %mul3A_180 : i32
      %get3A_182 = arith.index_cast %mul3A_181 : i32 to index
      %get3A_183 = tpu.vector_load %arg8[%get3A_182] {strides = array<i32>} : memref<16384xi32, #tpu.memory_space<vmem>>, vector<16xi32>,
      %add3A_184 = vector.broadcast %mul3A_181 : i32 to vector<16xi32>
      %add3A_185 = arith.addi %iota3A, %add3A_184 : vector<16xi32>
      %ge3A_186 = vector.broadcast %mul3A_2 : i32 to vector<16xi32>
      %ge3A_187 = arith.cmpi sge, %get3A_183, %ge3A_186 : vector<16xi32>
      %lt3A_188 = vector.broadcast %add3A_4 : i32 to vector<16xi32>
      %lt3A_189 = arith.cmpi slt, %get3A_183, %lt3A_188 : vector<16xi32>
      %and3A_190 = arith.andi %ge3A_187, %lt3A_189 : vector<16xi1>
      %sub3A_191 = vector.broadcast %mul3A_2 : i32 to vector<16xi32>
      %sub3A_192 = arith.subi %get3A_183, %sub3A_191 : vector<16xi32>
      %scatter3A_193 = arith.constant 0 : i32
      %scatter3A_194 = tpu.memref_slice %arg10[%scatter3A_193] : memref<3136xi32, #tpu.memory_space<vmem>> -> memref<3136xi32, #tpu.memory_space<vmem>>
      tpu.vector_store_idx %scatter3A_194[%sub3A_192], %add3A_185 masked %and3A_190 : memref<3136xi32, #tpu.memory_space<vmem>>[vector<16xi32>], vector<16xi32>, vector<16xi1>
      %mul3A_195 = arith.constant 4 : i32
      %mul3A_196 = arith.muli %mul3A_195, %add3A_141 : i32
      %add3A_197 = arith.constant 3 : i32
      %add3A_198 = arith.addi %mul3A_196, %add3A_197 : i32
      %mul3A_199 = arith.constant 16 : i32
      %mul3A_200 = arith.muli %add3A_198, %mul3A_199 : i32
      %get3A_201 = arith.index_cast %mul3A_200 : i32 to index
      %get3A_202 = tpu.vector_load %arg8[%get3A_201] {strides = array<i32>} : memref<16384xi32, #tpu.memory_space<vmem>>, vector<16xi32>,
      %add3A_203 = vector.broadcast %mul3A_200 : i32 to vector<16xi32>
      %add3A_204 = arith.addi %iota3A, %add3A_203 : vector<16xi32>
      %ge3A_205 = vector.broadcast %mul3A_2 : i32 to vector<16xi32>
      %ge3A_206 = arith.cmpi sge, %get3A_202, %ge3A_205 : vector<16xi32>
      %lt3A_207 = vector.broadcast %add3A_4 : i32 to vector<16xi32>
      %lt3A_208 = arith.cmpi slt, %get3A_202, %lt3A_207 : vector<16xi32>
      %and3A_209 = arith.andi %ge3A_206, %lt3A_208 : vector<16xi1>
      %sub3A_210 = vector.broadcast %mul3A_2 : i32 to vector<16xi32>
      %sub3A_211 = arith.subi %get3A_202, %sub3A_210 : vector<16xi32>
      %scatter3A_212 = arith.constant 0 : i32
      %scatter3A_213 = tpu.memref_slice %arg10[%scatter3A_212] : memref<3136xi32, #tpu.memory_space<vmem>> -> memref<3136xi32, #tpu.memory_space<vmem>>
      tpu.vector_store_idx %scatter3A_213[%sub3A_211], %add3A_204 masked %and3A_209 : memref<3136xi32, #tpu.memory_space<vmem>>[vector<16xi32>], vector<16xi32>, vector<16xi1>
    }
    %scan3A_57 = arith.constant 256 : i32
    %scan3A_58 = arith.constant 0 : i32
    %scan3A_59 = arith.constant 0 : i32
    %scan3A_60 = arith.constant 196 : i32
    %scan3A_61 = arith.addi %scan3A_59, %scan3A_60 : i32
    %scan3A_62 = arith.constant 1 : i32
    %scan3A_63 = scf.for %scan3A_137 = %scan3A_59 to %scan3A_61 step %scan3A_62 iter_args(%scan3A_138 = %scan3A_58) -> (i32)  : i32 {
      %mul3A_139 = arith.constant 16 : i32
      %mul3A_140 = arith.muli %scan3A_137, %mul3A_139 : i32
      %get3A = arith.index_cast %mul3A_140 : i32 to index
      %get3A_141 = tpu.vector_load %arg10[%get3A] {strides = array<i32>} : memref<3136xi32, #tpu.memory_space<vmem>>, vector<16xi32>,
      %ge3A = arith.constant 0 : i32
      %ge3A_142 = vector.broadcast %ge3A : i32 to vector<16xi32>
      %ge3A_143 = arith.cmpi sge, %get3A_141, %ge3A_142 : vector<16xi32>
      %mul3A_144 = arith.constant 16 : i32
      %mul3A_145 = arith.muli %scan3A_137, %mul3A_144 : i32
      %add3A_146 = arith.addi %mul3A_145, %mul3A_2 : i32
      %add3A_147 = vector.broadcast %add3A_146 : i32 to vector<16xi32>
      %add3A_148 = arith.addi %iota3A, %add3A_147 : vector<16xi32>
      %swap3A_149 = arith.index_cast %scan3A_138 : i32 to index
      %swap3A_150 = tpu.vector_load %arg11[%swap3A_149] masked %ge3A_143 {strides = array<i32>} : memref<3328xi32, #tpu.memory_space<vmem>>, vector<16xi32>, vector<16xi1>
      tpu.vector_store %arg11[%swap3A_149], %add3A_148 masked %ge3A_143 {strides = array<i32>} : memref<3328xi32, #tpu.memory_space<vmem>>, vector<16xi32>, vector<16xi1>
      %swap3A_151 = arith.index_cast %scan3A_138 : i32 to index
      %swap3A_152 = tpu.vector_load %arg12[%swap3A_151] masked %ge3A_143 {strides = array<i32>} : memref<3328xi32, #tpu.memory_space<vmem>>, vector<16xi32>, vector<16xi1>
      tpu.vector_store %arg12[%swap3A_151], %get3A_141 masked %ge3A_143 {strides = array<i32>} : memref<3328xi32, #tpu.memory_space<vmem>>, vector<16xi32>, vector<16xi1>
      %all_reduce_population_count3A = tpu.all_reduce %ge3A_143 {dim = 0 : i64, kind = #tpu.reduction_kind<sum>} : vector<16xi1> -> vector<16xi32>
      %reduce_max3A = arith.constant true
      %reduce_max3A_153 = vector.broadcast %reduce_max3A : i1 to vector<16xi1>
      %reduce_max3A_154 = arith.constant -2147483648 : i32
      %reduce_max3A_155 = vector.broadcast %reduce_max3A_154 : i32 to vector<16xi32>
      %reduce_max3A_156 = arith.xori %all_reduce_population_count3A, %reduce_max3A_155 : vector<16xi32>
      %reduce_max3A_157 = tpu.scan <max>, %reduce_max3A_156 masked %reduce_max3A_153 : vector<16xi32>, vector<16xi1> -> vector<16xi32>
      %reduce_max3A_158 = arith.xori %reduce_max3A_157, %reduce_max3A_155 : vector<16xi32>
      %reduce_max3A_159 = vector.extract %reduce_max3A_158[15] : i32 from vector<16xi32>
      %add3A_160 = arith.addi %scan3A_138, %reduce_max3A_159 : i32
      scf.yield %add3A_160 : i32
    }
    %scan3A_64 = arith.constant 196 : i32
    %add3A_65 = arith.constant 128 : i32
    %add3A_66 = arith.addi %scan3A_63, %add3A_65 : i32
    %sub3A = arith.constant 1 : i32
    %sub3A_67 = arith.subi %add3A_66, %sub3A : i32
    %jit3A = arith.constant 128 : i32
    %div3A = arith.divsi %sub3A_67, %jit3A : i32
    %sign3A = arith.constant 0 : i32
    %sign3A_68 = arith.cmpi sgt, %sub3A_67, %sign3A : i32
    %sign3A_69 = arith.extui %sign3A_68 : i1 to i32
    %sign3A_70 = arith.constant 0 : i32
    %sign3A_71 = arith.cmpi slt, %sub3A_67, %sign3A_70 : i32
    %sign3A_72 = arith.extui %sign3A_71 : i1 to i32
    %sign3A_73 = arith.subi %sign3A_69, %sign3A_72 : i32
    %sign3A_74 = arith.constant 0 : i32
    %sign3A_75 = arith.cmpi sgt, %jit3A, %sign3A_74 : i32
    %sign3A_76 = arith.extui %sign3A_75 : i1 to i32
    %sign3A_77 = arith.constant 0 : i32
    %sign3A_78 = arith.cmpi slt, %jit3A, %sign3A_77 : i32
    %sign3A_79 = arith.extui %sign3A_78 : i1 to i32
    %sign3A_80 = arith.subi %sign3A_76, %sign3A_79 : i32
    %ne3A = arith.cmpi ne, %sign3A_73, %sign3A_80 : i32
    %rem3A = arith.remsi %sub3A_67, %jit3A : i32
    %ne3A_81 = arith.constant 0 : i32
    %ne3A_82 = arith.cmpi ne, %rem3A, %ne3A_81 : i32
    %and3A = arith.andi %ne3A, %ne3A_82 : i1
    %sub3A_83 = arith.constant 1 : i32
    %sub3A_84 = arith.subi %div3A, %sub3A_83 : i32
    %select_n3A = arith.select %and3A, %sub3A_84, %div3A : i32
    %broadcast_in_dim3A_85 = arith.constant 0 : i32
    %broadcast_in_dim3A_86 = vector.broadcast %broadcast_in_dim3A_85 : i32 to vector<16xi32>
    %add3A_87 = vector.broadcast %select_n3A : i32 to vector<16xi32>
    %add3A_88 = arith.addi %broadcast_in_dim3A_86, %add3A_87 : vector<16xi32>
    %swap3A = arith.constant 0 : index
    %swap3A_89 = tpu.vector_load %arg15[%swap3A] {strides = array<i32>} : memref<16xi32, #tpu.memory_space<vmem>>, vector<16xi32>,
    tpu.vector_store %arg15[%swap3A], %add3A_88 {strides = array<i32>} : memref<16xi32, #tpu.memory_space<vmem>>, vector<16xi32>,
    "tpu.region"() ({
      %run_scoped3A = tpu.sem_alloc : memref<!tpu.dma_semaphore, #tpu.memory_space<semaphore_mem>>
      %dma_start3A_137 = arith.constant 0 : i32
      %dma_start3A_138 = tpu.memref_slice %arg7[%add3A, %dma_start3A_137] : memref<32x16xi32, #tpu.memory_space<hbm>> -> memref<1x16xi32, #tpu.memory_space<hbm>>
      %dma_start3A_139 = tpu.memref_squeeze %dma_start3A_138 : memref<1x16xi32, #tpu.memory_space<hbm>> -> memref<16xi32, #tpu.memory_space<hbm>>
      %dma_start3A_140 = arith.constant 0 : i32
      %dma_start3A_141 = tpu.memref_slice %arg7[%add3A, %dma_start3A_140] : memref<32x16xi32, #tpu.memory_space<hbm>> -> memref<1x16xi32, #tpu.memory_space<hbm>>
      %dma_start3A_142 = tpu.memref_squeeze %dma_start3A_141 : memref<1x16xi32, #tpu.memory_space<hbm>> -> memref<16xi32, #tpu.memory_space<hbm>>
      tpu.enqueue_dma source(%arg15 : memref<16xi32, #tpu.memory_space<vmem>>) target(%dma_start3A_142 : memref<16xi32, #tpu.memory_space<hbm>>) target_semaphore(%run_scoped3A : memref<!tpu.dma_semaphore, #tpu.memory_space<semaphore_mem>>)
      %dma_wait3A_143 = arith.constant 0 : i32
      %dma_wait3A_144 = tpu.memref_slice %arg7[%add3A, %dma_wait3A_143] : memref<32x16xi32, #tpu.memory_space<hbm>> -> memref<1x16xi32, #tpu.memory_space<hbm>>
      %dma_wait3A_145 = tpu.memref_squeeze %dma_wait3A_144 : memref<1x16xi32, #tpu.memory_space<hbm>> -> memref<16xi32, #tpu.memory_space<hbm>>
      %dma_wait3A_146 = arith.constant 0 : i32
      %dma_wait3A_147 = tpu.memref_slice %arg7[%add3A, %dma_wait3A_146] : memref<32x16xi32, #tpu.memory_space<hbm>> -> memref<1x16xi32, #tpu.memory_space<hbm>>
      %dma_wait3A_148 = tpu.memref_squeeze %dma_wait3A_147 : memref<1x16xi32, #tpu.memory_space<hbm>> -> memref<16xi32, #tpu.memory_space<hbm>>
      tpu.wait_dma2 semaphore(%run_scoped3A : memref<!tpu.dma_semaphore, #tpu.memory_space<semaphore_mem>>) src(%arg15 : memref<16xi32, #tpu.memory_space<vmem>>) dst(%dma_wait3A_148 : memref<16xi32, #tpu.memory_space<hbm>>)
      tpu.yield
    }) : () -> ()
    %gt3A = arith.constant 0 : i32
    %gt3A_90 = arith.cmpi sgt, %scan3A_63, %gt3A : i32
    %convert_element_type3A = arith.extui %gt3A_90 : i1 to i32
    %cond3A = arith.constant 0 : i32
    %cond3A_91 = arith.cmpi ne, %convert_element_type3A, %cond3A : i32
    scf.if %cond3A_91 {
      %get3A = arith.constant 0 : index
      %get3A_137 = tpu.vector_load %arg11[%get3A] {strides = array<i32>} : memref<3328xi32, #tpu.memory_space<vmem>>, vector<16xi32>,
      %iota3A_138 = tpu.iota {dimensions = array<i32: 0>} : vector<16xi32>
      %eq3A = arith.constant 0 : i32
      %eq3A_139 = vector.broadcast %eq3A : i32 to vector<16xi32>
      %eq3A_140 = arith.cmpi eq, %iota3A_138, %eq3A_139 : vector<16xi32>
      %broadcast_in_dim3A_141 = arith.constant -2147483648 : i32
      %broadcast_in_dim3A_142 = vector.broadcast %broadcast_in_dim3A_141 : i32 to vector<16xi32>
      %select_n3A_143 = arith.select %eq3A_140, %get3A_137, %broadcast_in_dim3A_142 : vector<16xi1>, vector<16xi32>
      %reduce_max3A = arith.constant true
      %reduce_max3A_144 = vector.broadcast %reduce_max3A : i1 to vector<16xi1>
      %reduce_max3A_145 = arith.constant -2147483648 : i32
      %reduce_max3A_146 = vector.broadcast %reduce_max3A_145 : i32 to vector<16xi32>
      %reduce_max3A_147 = arith.xori %select_n3A_143, %reduce_max3A_146 : vector<16xi32>
      %reduce_max3A_148 = tpu.scan <max>, %reduce_max3A_147 masked %reduce_max3A_144 : vector<16xi32>, vector<16xi1> -> vector<16xi32>
      %reduce_max3A_149 = arith.xori %reduce_max3A_148, %reduce_max3A_146 : vector<16xi32>
      %reduce_max3A_150 = vector.extract %reduce_max3A_149[15] : i32 from vector<16xi32>
      %get3A_151 = arith.constant 0 : index
      %get3A_152 = tpu.vector_load %arg12[%get3A_151] {strides = array<i32>} : memref<3328xi32, #tpu.memory_space<vmem>>, vector<16xi32>,
      %iota3A_153 = tpu.iota {dimensions = array<i32: 0>} : vector<16xi32>
      %eq3A_154 = arith.constant 0 : i32
      %eq3A_155 = vector.broadcast %eq3A_154 : i32 to vector<16xi32>
      %eq3A_156 = arith.cmpi eq, %iota3A_153, %eq3A_155 : vector<16xi32>
      %broadcast_in_dim3A_157 = arith.constant -2147483648 : i32
      %broadcast_in_dim3A_158 = vector.broadcast %broadcast_in_dim3A_157 : i32 to vector<16xi32>
      %select_n3A_159 = arith.select %eq3A_156, %get3A_152, %broadcast_in_dim3A_158 : vector<16xi1>, vector<16xi32>
      %reduce_max3A_160 = arith.constant true
      %reduce_max3A_161 = vector.broadcast %reduce_max3A_160 : i1 to vector<16xi1>
      %reduce_max3A_162 = arith.constant -2147483648 : i32
      %reduce_max3A_163 = vector.broadcast %reduce_max3A_162 : i32 to vector<16xi32>
      %reduce_max3A_164 = arith.xori %select_n3A_159, %reduce_max3A_163 : vector<16xi32>
      %reduce_max3A_165 = tpu.scan <max>, %reduce_max3A_164 masked %reduce_max3A_161 : vector<16xi32>, vector<16xi1> -> vector<16xi32>
      %reduce_max3A_166 = arith.xori %reduce_max3A_165, %reduce_max3A_163 : vector<16xi32>
      %reduce_max3A_167 = vector.extract %reduce_max3A_166[15] : i32 from vector<16xi32>
      %mul3A_168 = arith.constant 128 : i32
      %mul3A_169 = arith.muli %select_n3A, %mul3A_168 : i32
      %jit3A_170 = arith.constant 16 : i32
      %div3A_171 = arith.divsi %scan3A_63, %jit3A_170 : i32
      %sign3A_172 = arith.constant 0 : i32
      %sign3A_173 = arith.cmpi sgt, %scan3A_63, %sign3A_172 : i32
      %sign3A_174 = arith.extui %sign3A_173 : i1 to i32
      %sign3A_175 = arith.constant 0 : i32
      %sign3A_176 = arith.cmpi slt, %scan3A_63, %sign3A_175 : i32
      %sign3A_177 = arith.extui %sign3A_176 : i1 to i32
      %sign3A_178 = arith.subi %sign3A_174, %sign3A_177 : i32
      %sign3A_179 = arith.constant 0 : i32
      %sign3A_180 = arith.cmpi sgt, %jit3A_170, %sign3A_179 : i32
      %sign3A_181 = arith.extui %sign3A_180 : i1 to i32
      %sign3A_182 = arith.constant 0 : i32
      %sign3A_183 = arith.cmpi slt, %jit3A_170, %sign3A_182 : i32
      %sign3A_184 = arith.extui %sign3A_183 : i1 to i32
      %sign3A_185 = arith.subi %sign3A_181, %sign3A_184 : i32
      %ne3A_186 = arith.cmpi ne, %sign3A_178, %sign3A_185 : i32
      %rem3A_187 = arith.remsi %scan3A_63, %jit3A_170 : i32
      %ne3A_188 = arith.constant 0 : i32
      %ne3A_189 = arith.cmpi ne, %rem3A_187, %ne3A_188 : i32
      %and3A_190 = arith.andi %ne3A_186, %ne3A_189 : i1
      %sub3A_191 = arith.constant 1 : i32
      %sub3A_192 = arith.subi %div3A_171, %sub3A_191 : i32
      %select_n3A_193 = arith.select %and3A_190, %sub3A_192, %div3A_171 : i32
      %mul3A_194 = arith.constant 16 : i32
      %mul3A_195 = arith.muli %select_n3A_193, %mul3A_194 : i32
      %sub3A_196 = arith.subi %mul3A_169, %mul3A_195 : i32
      %jit3A_197 = arith.constant 16 : i32
      %div3A_198 = arith.divsi %sub3A_196, %jit3A_197 : i32
      %sign3A_199 = arith.constant 0 : i32
      %sign3A_200 = arith.cmpi sgt, %sub3A_196, %sign3A_199 : i32
      %sign3A_201 = arith.extui %sign3A_200 : i1 to i32
      %sign3A_202 = arith.constant 0 : i32
      %sign3A_203 = arith.cmpi slt, %sub3A_196, %sign3A_202 : i32
      %sign3A_204 = arith.extui %sign3A_203 : i1 to i32
      %sign3A_205 = arith.subi %sign3A_201, %sign3A_204 : i32
      %sign3A_206 = arith.constant 0 : i32
      %sign3A_207 = arith.cmpi sgt, %jit3A_197, %sign3A_206 : i32
      %sign3A_208 = arith.extui %sign3A_207 : i1 to i32
      %sign3A_209 = arith.constant 0 : i32
      %sign3A_210 = arith.cmpi slt, %jit3A_197, %sign3A_209 : i32
      %sign3A_211 = arith.extui %sign3A_210 : i1 to i32
      %sign3A_212 = arith.subi %sign3A_208, %sign3A_211 : i32
      %ne3A_213 = arith.cmpi ne, %sign3A_205, %sign3A_212 : i32
      %rem3A_214 = arith.remsi %sub3A_196, %jit3A_197 : i32
      %ne3A_215 = arith.constant 0 : i32
      %ne3A_216 = arith.cmpi ne, %rem3A_214, %ne3A_215 : i32
      %and3A_217 = arith.andi %ne3A_213, %ne3A_216 : i1
      %sub3A_218 = arith.constant 1 : i32
      %sub3A_219 = arith.subi %div3A_198, %sub3A_218 : i32
      %select_n3A_220 = arith.select %and3A_217, %sub3A_219, %div3A_198 : i32
      %sub3A_221 = arith.constant 0 : i32
      %sub3A_222 = arith.subi %select_n3A_220, %sub3A_221 : i32
      %sub3A_223 = arith.constant 1 : i32
      %sub3A_224 = arith.constant 1 : i32
      %sub3A_225 = arith.subi %sub3A_223, %sub3A_224 : i32
      %add3A_226 = arith.addi %sub3A_222, %sub3A_225 : i32
      %div3A_227 = arith.constant 1 : i32
      %div3A_228 = arith.divsi %add3A_226, %div3A_227 : i32
      %while3A = arith.constant 1 : i32
      %while3A_229 = arith.constant 0 : i32
      %while3A_230 = arith.constant 0 : i32
      %while3A_231 = arith.subi %div3A_228, %while3A_230 : i32
      %while3A_232 = arith.addi %while3A_230, %while3A_231 : i32
      %while3A_233 = arith.constant 1 : i32
      %while3A_234 = arith.divsi %while3A_231, %while3A_233 : i32
      %while3A_235 = arith.muli %while3A_234, %while3A_233 : i32
      %while3A_236 = arith.addi %while3A_230, %while3A_235 : i32
      %while3A_237 = arith.constant 1 : i32
      scf.for %while3A_260 = %while3A_230 to %while3A_236 step %while3A_237  : i32 {
        %mul3A_261 = arith.muli %while3A_260, %while3A : i32
        %add3A_262 = arith.addi %while3A_229, %mul3A_261 : i32
        %jit3A_263 = arith.constant 16 : i32
        %div3A_264 = arith.divsi %scan3A_63, %jit3A_263 : i32
        %sign3A_265 = arith.constant 0 : i32
        %sign3A_266 = arith.cmpi sgt, %scan3A_63, %sign3A_265 : i32
        %sign3A_267 = arith.extui %sign3A_266 : i1 to i32
        %sign3A_268 = arith.constant 0 : i32
        %sign3A_269 = arith.cmpi slt, %scan3A_63, %sign3A_268 : i32
        %sign3A_270 = arith.extui %sign3A_269 : i1 to i32
        %sign3A_271 = arith.subi %sign3A_267, %sign3A_270 : i32
        %sign3A_272 = arith.constant 0 : i32
        %sign3A_273 = arith.cmpi sgt, %jit3A_263, %sign3A_272 : i32
        %sign3A_274 = arith.extui %sign3A_273 : i1 to i32
        %sign3A_275 = arith.constant 0 : i32
        %sign3A_276 = arith.cmpi slt, %jit3A_263, %sign3A_275 : i32
        %sign3A_277 = arith.extui %sign3A_276 : i1 to i32
        %sign3A_278 = arith.subi %sign3A_274, %sign3A_277 : i32
        %ne3A_279 = arith.cmpi ne, %sign3A_271, %sign3A_278 : i32
        %rem3A_280 = arith.remsi %scan3A_63, %jit3A_263 : i32
        %ne3A_281 = arith.constant 0 : i32
        %ne3A_282 = arith.cmpi ne, %rem3A_280, %ne3A_281 : i32
        %and3A_283 = arith.andi %ne3A_279, %ne3A_282 : i1
        %sub3A_284 = arith.constant 1 : i32
        %sub3A_285 = arith.subi %div3A_264, %sub3A_284 : i32
        %select_n3A_286 = arith.select %and3A_283, %sub3A_285, %div3A_264 : i32
        %mul3A_287 = arith.constant 16 : i32
        %mul3A_288 = arith.muli %select_n3A_286, %mul3A_287 : i32
        %mul3A_289 = arith.constant 16 : i32
        %mul3A_290 = arith.muli %add3A_262, %mul3A_289 : i32
        %add3A_291 = arith.addi %mul3A_288, %mul3A_290 : i32
        %add3A_292 = vector.broadcast %add3A_291 : i32 to vector<16xi32>
        %add3A_293 = arith.addi %iota3A, %add3A_292 : vector<16xi32>
        %lt3A = vector.broadcast %scan3A_63 : i32 to vector<16xi32>
        %lt3A_294 = arith.cmpi slt, %add3A_293, %lt3A : vector<16xi32>
        %get3A_295 = arith.index_cast %add3A_291 : i32 to index
        %get3A_296 = tpu.vector_load %arg11[%get3A_295] {strides = array<i32>} : memref<3328xi32, #tpu.memory_space<vmem>>, vector<16xi32>,
        %get3A_297 = arith.index_cast %add3A_291 : i32 to index
        %get3A_298 = tpu.vector_load %arg12[%get3A_297] {strides = array<i32>} : memref<3328xi32, #tpu.memory_space<vmem>>, vector<16xi32>,
        %broadcast_in_dim3A_299 = arith.constant 0 : i32
        %broadcast_in_dim3A_300 = vector.broadcast %broadcast_in_dim3A_299 : i32 to vector<16xi32>
        %add3A_301 = vector.broadcast %reduce_max3A_150 : i32 to vector<16xi32>
        %add3A_302 = arith.addi %broadcast_in_dim3A_300, %add3A_301 : vector<16xi32>
        %select_n3A_303 = arith.select %lt3A_294, %get3A_296, %add3A_302 : vector<16xi1>, vector<16xi32>
        %swap3A_304 = arith.index_cast %add3A_291 : i32 to index
        %swap3A_305 = tpu.vector_load %arg11[%swap3A_304] {strides = array<i32>} : memref<3328xi32, #tpu.memory_space<vmem>>, vector<16xi32>,
        tpu.vector_store %arg11[%swap3A_304], %select_n3A_303 {strides = array<i32>} : memref<3328xi32, #tpu.memory_space<vmem>>, vector<16xi32>,
        %broadcast_in_dim3A_306 = arith.constant 0 : i32
        %broadcast_in_dim3A_307 = vector.broadcast %broadcast_in_dim3A_306 : i32 to vector<16xi32>
        %add3A_308 = vector.broadcast %reduce_max3A_167 : i32 to vector<16xi32>
        %add3A_309 = arith.addi %broadcast_in_dim3A_307, %add3A_308 : vector<16xi32>
        %select_n3A_310 = arith.select %lt3A_294, %get3A_298, %add3A_309 : vector<16xi1>, vector<16xi32>
        %swap3A_311 = arith.index_cast %add3A_291 : i32 to index
        %swap3A_312 = tpu.vector_load %arg12[%swap3A_311] {strides = array<i32>} : memref<3328xi32, #tpu.memory_space<vmem>>, vector<16xi32>,
        tpu.vector_store %arg12[%swap3A_311], %select_n3A_310 {strides = array<i32>} : memref<3328xi32, #tpu.memory_space<vmem>>, vector<16xi32>,
      }
      %while3A_238 = arith.constant 1 : i32
      scf.for %while3A_260 = %while3A_236 to %while3A_232 step %while3A_238  : i32 {
        %mul3A_261 = arith.muli %while3A_260, %while3A : i32
        %add3A_262 = arith.addi %while3A_229, %mul3A_261 : i32
        %jit3A_263 = arith.constant 16 : i32
        %div3A_264 = arith.divsi %scan3A_63, %jit3A_263 : i32
        %sign3A_265 = arith.constant 0 : i32
        %sign3A_266 = arith.cmpi sgt, %scan3A_63, %sign3A_265 : i32
        %sign3A_267 = arith.extui %sign3A_266 : i1 to i32
        %sign3A_268 = arith.constant 0 : i32
        %sign3A_269 = arith.cmpi slt, %scan3A_63, %sign3A_268 : i32
        %sign3A_270 = arith.extui %sign3A_269 : i1 to i32
        %sign3A_271 = arith.subi %sign3A_267, %sign3A_270 : i32
        %sign3A_272 = arith.constant 0 : i32
        %sign3A_273 = arith.cmpi sgt, %jit3A_263, %sign3A_272 : i32
        %sign3A_274 = arith.extui %sign3A_273 : i1 to i32
        %sign3A_275 = arith.constant 0 : i32
        %sign3A_276 = arith.cmpi slt, %jit3A_263, %sign3A_275 : i32
        %sign3A_277 = arith.extui %sign3A_276 : i1 to i32
        %sign3A_278 = arith.subi %sign3A_274, %sign3A_277 : i32
        %ne3A_279 = arith.cmpi ne, %sign3A_271, %sign3A_278 : i32
        %rem3A_280 = arith.remsi %scan3A_63, %jit3A_263 : i32
        %ne3A_281 = arith.constant 0 : i32
        %ne3A_282 = arith.cmpi ne, %rem3A_280, %ne3A_281 : i32
        %and3A_283 = arith.andi %ne3A_279, %ne3A_282 : i1
        %sub3A_284 = arith.constant 1 : i32
        %sub3A_285 = arith.subi %div3A_264, %sub3A_284 : i32
        %select_n3A_286 = arith.select %and3A_283, %sub3A_285, %div3A_264 : i32
        %mul3A_287 = arith.constant 16 : i32
        %mul3A_288 = arith.muli %select_n3A_286, %mul3A_287 : i32
        %mul3A_289 = arith.constant 16 : i32
        %mul3A_290 = arith.muli %add3A_262, %mul3A_289 : i32
        %add3A_291 = arith.addi %mul3A_288, %mul3A_290 : i32
        %add3A_292 = vector.broadcast %add3A_291 : i32 to vector<16xi32>
        %add3A_293 = arith.addi %iota3A, %add3A_292 : vector<16xi32>
        %lt3A = vector.broadcast %scan3A_63 : i32 to vector<16xi32>
        %lt3A_294 = arith.cmpi slt, %add3A_293, %lt3A : vector<16xi32>
        %get3A_295 = arith.index_cast %add3A_291 : i32 to index
        %get3A_296 = tpu.vector_load %arg11[%get3A_295] {strides = array<i32>} : memref<3328xi32, #tpu.memory_space<vmem>>, vector<16xi32>,
        %get3A_297 = arith.index_cast %add3A_291 : i32 to index
        %get3A_298 = tpu.vector_load %arg12[%get3A_297] {strides = array<i32>} : memref<3328xi32, #tpu.memory_space<vmem>>, vector<16xi32>,
        %broadcast_in_dim3A_299 = arith.constant 0 : i32
        %broadcast_in_dim3A_300 = vector.broadcast %broadcast_in_dim3A_299 : i32 to vector<16xi32>
        %add3A_301 = vector.broadcast %reduce_max3A_150 : i32 to vector<16xi32>
        %add3A_302 = arith.addi %broadcast_in_dim3A_300, %add3A_301 : vector<16xi32>
        %select_n3A_303 = arith.select %lt3A_294, %get3A_296, %add3A_302 : vector<16xi1>, vector<16xi32>
        %swap3A_304 = arith.index_cast %add3A_291 : i32 to index
        %swap3A_305 = tpu.vector_load %arg11[%swap3A_304] {strides = array<i32>} : memref<3328xi32, #tpu.memory_space<vmem>>, vector<16xi32>,
        tpu.vector_store %arg11[%swap3A_304], %select_n3A_303 {strides = array<i32>} : memref<3328xi32, #tpu.memory_space<vmem>>, vector<16xi32>,
        %broadcast_in_dim3A_306 = arith.constant 0 : i32
        %broadcast_in_dim3A_307 = vector.broadcast %broadcast_in_dim3A_306 : i32 to vector<16xi32>
        %add3A_308 = vector.broadcast %reduce_max3A_167 : i32 to vector<16xi32>
        %add3A_309 = arith.addi %broadcast_in_dim3A_307, %add3A_308 : vector<16xi32>
        %select_n3A_310 = arith.select %lt3A_294, %get3A_298, %add3A_309 : vector<16xi1>, vector<16xi32>
        %swap3A_311 = arith.index_cast %add3A_291 : i32 to index
        %swap3A_312 = tpu.vector_load %arg12[%swap3A_311] {strides = array<i32>} : memref<3328xi32, #tpu.memory_space<vmem>>, vector<16xi32>,
        tpu.vector_store %arg12[%swap3A_311], %select_n3A_310 {strides = array<i32>} : memref<3328xi32, #tpu.memory_space<vmem>>, vector<16xi32>,
      }
      %mul3A_239 = arith.constant 8 : i32
      %mul3A_240 = arith.muli %select_n3A, %mul3A_239 : i32
      %sub3A_241 = arith.constant 0 : i32
      %sub3A_242 = arith.subi %mul3A_240, %sub3A_241 : i32
      %sub3A_243 = arith.constant 1 : i32
      %sub3A_244 = arith.constant 1 : i32
      %sub3A_245 = arith.subi %sub3A_243, %sub3A_244 : i32
      %add3A_246 = arith.addi %sub3A_242, %sub3A_245 : i32
      %div3A_247 = arith.constant 1 : i32
      %div3A_248 = arith.divsi %add3A_246, %div3A_247 : i32
      %while3A_249 = arith.constant 1 : i32
      %while3A_250 = arith.constant 0 : i32
      %while3A_251 = arith.constant 0 : i32
      %while3A_252 = arith.subi %div3A_248, %while3A_251 : i32
      %while3A_253 = arith.addi %while3A_251, %while3A_252 : i32
      %while3A_254 = arith.constant 1 : i32
      %while3A_255 = arith.divsi %while3A_252, %while3A_254 : i32
      %while3A_256 = arith.muli %while3A_255, %while3A_254 : i32
      %while3A_257 = arith.addi %while3A_251, %while3A_256 : i32
      %while3A_258 = arith.constant 1 : i32
      scf.for %while3A_260 = %while3A_251 to %while3A_257 step %while3A_258  : i32 {
        %mul3A_261 = arith.muli %while3A_260, %while3A_249 : i32
        %add3A_262 = arith.addi %while3A_250, %mul3A_261 : i32
        %jit3A_263 = arith.constant 8 : i32
        %div3A_264 = arith.divsi %add3A_262, %jit3A_263 : i32
        %sign3A_265 = arith.constant 0 : i32
        %sign3A_266 = arith.cmpi sgt, %add3A_262, %sign3A_265 : i32
        %sign3A_267 = arith.extui %sign3A_266 : i1 to i32
        %sign3A_268 = arith.constant 0 : i32
        %sign3A_269 = arith.cmpi slt, %add3A_262, %sign3A_268 : i32
        %sign3A_270 = arith.extui %sign3A_269 : i1 to i32
        %sign3A_271 = arith.subi %sign3A_267, %sign3A_270 : i32
        %sign3A_272 = arith.constant 0 : i32
        %sign3A_273 = arith.cmpi sgt, %jit3A_263, %sign3A_272 : i32
        %sign3A_274 = arith.extui %sign3A_273 : i1 to i32
        %sign3A_275 = arith.constant 0 : i32
        %sign3A_276 = arith.cmpi slt, %jit3A_263, %sign3A_275 : i32
        %sign3A_277 = arith.extui %sign3A_276 : i1 to i32
        %sign3A_278 = arith.subi %sign3A_274, %sign3A_277 : i32
        %ne3A_279 = arith.cmpi ne, %sign3A_271, %sign3A_278 : i32
        %rem3A_280 = arith.remsi %add3A_262, %jit3A_263 : i32
        %ne3A_281 = arith.constant 0 : i32
        %ne3A_282 = arith.cmpi ne, %rem3A_280, %ne3A_281 : i32
        %and3A_283 = arith.andi %ne3A_279, %ne3A_282 : i1
        %sub3A_284 = arith.constant 1 : i32
        %sub3A_285 = arith.subi %div3A_264, %sub3A_284 : i32
        %select_n3A_286 = arith.select %and3A_283, %sub3A_285, %div3A_264 : i32
        %rem3A_287 = arith.constant 8 : i32
        %rem3A_288 = arith.remsi %add3A_262, %rem3A_287 : i32
        %mul3A_289 = arith.constant 16 : i32
        %mul3A_290 = arith.muli %add3A_262, %mul3A_289 : i32
        %get3A_291 = arith.index_cast %mul3A_290 : i32 to index
        %get3A_292 = tpu.vector_load %arg11[%get3A_291] {strides = array<i32>} : memref<3328xi32, #tpu.memory_space<vmem>>, vector<16xi32>,
        %mul3A_293 = arith.constant 16 : i32
        %mul3A_294 = arith.muli %rem3A_288, %mul3A_293 : i32
        %swap3A_295 = arith.index_cast %select_n3A_286 : i32 to index
        %swap3A_296 = arith.index_cast %mul3A_294 : i32 to index
        %swap3A_297 = tpu.vector_load %arg13[%swap3A_295, %swap3A_296] {strides = array<i32>} : memref<26x128xi32, #tpu.memory_space<vmem>>, vector<16xi32>,
        tpu.vector_store %arg13[%swap3A_295, %swap3A_296], %get3A_292 {strides = array<i32>} : memref<26x128xi32, #tpu.memory_space<vmem>>, vector<16xi32>,
        %mul3A_298 = arith.constant 16 : i32
        %mul3A_299 = arith.muli %add3A_262, %mul3A_298 : i32
        %get3A_300 = arith.index_cast %mul3A_299 : i32 to index
        %get3A_301 = tpu.vector_load %arg12[%get3A_300] {strides = array<i32>} : memref<3328xi32, #tpu.memory_space<vmem>>, vector<16xi32>,
        %mul3A_302 = arith.constant 16 : i32
        %mul3A_303 = arith.muli %rem3A_288, %mul3A_302 : i32
        %swap3A_304 = arith.index_cast %select_n3A_286 : i32 to index
        %swap3A_305 = arith.index_cast %mul3A_303 : i32 to index
        %swap3A_306 = tpu.vector_load %arg14[%swap3A_304, %swap3A_305] {strides = array<i32>} : memref<26x128xi32, #tpu.memory_space<vmem>>, vector<16xi32>,
        tpu.vector_store %arg14[%swap3A_304, %swap3A_305], %get3A_301 {strides = array<i32>} : memref<26x128xi32, #tpu.memory_space<vmem>>, vector<16xi32>,
      }
      %while3A_259 = arith.constant 1 : i32
      scf.for %while3A_260 = %while3A_257 to %while3A_253 step %while3A_259  : i32 {
        %mul3A_261 = arith.muli %while3A_260, %while3A_249 : i32
        %add3A_262 = arith.addi %while3A_250, %mul3A_261 : i32
        %jit3A_263 = arith.constant 8 : i32
        %div3A_264 = arith.divsi %add3A_262, %jit3A_263 : i32
        %sign3A_265 = arith.constant 0 : i32
        %sign3A_266 = arith.cmpi sgt, %add3A_262, %sign3A_265 : i32
        %sign3A_267 = arith.extui %sign3A_266 : i1 to i32
        %sign3A_268 = arith.constant 0 : i32
        %sign3A_269 = arith.cmpi slt, %add3A_262, %sign3A_268 : i32
        %sign3A_270 = arith.extui %sign3A_269 : i1 to i32
        %sign3A_271 = arith.subi %sign3A_267, %sign3A_270 : i32
        %sign3A_272 = arith.constant 0 : i32
        %sign3A_273 = arith.cmpi sgt, %jit3A_263, %sign3A_272 : i32
        %sign3A_274 = arith.extui %sign3A_273 : i1 to i32
        %sign3A_275 = arith.constant 0 : i32
        %sign3A_276 = arith.cmpi slt, %jit3A_263, %sign3A_275 : i32
        %sign3A_277 = arith.extui %sign3A_276 : i1 to i32
        %sign3A_278 = arith.subi %sign3A_274, %sign3A_277 : i32
        %ne3A_279 = arith.cmpi ne, %sign3A_271, %sign3A_278 : i32
        %rem3A_280 = arith.remsi %add3A_262, %jit3A_263 : i32
        %ne3A_281 = arith.constant 0 : i32
        %ne3A_282 = arith.cmpi ne, %rem3A_280, %ne3A_281 : i32
        %and3A_283 = arith.andi %ne3A_279, %ne3A_282 : i1
        %sub3A_284 = arith.constant 1 : i32
        %sub3A_285 = arith.subi %div3A_264, %sub3A_284 : i32
        %select_n3A_286 = arith.select %and3A_283, %sub3A_285, %div3A_264 : i32
        %rem3A_287 = arith.constant 8 : i32
        %rem3A_288 = arith.remsi %add3A_262, %rem3A_287 : i32
        %mul3A_289 = arith.constant 16 : i32
        %mul3A_290 = arith.muli %add3A_262, %mul3A_289 : i32
        %get3A_291 = arith.index_cast %mul3A_290 : i32 to index
        %get3A_292 = tpu.vector_load %arg11[%get3A_291] {strides = array<i32>} : memref<3328xi32, #tpu.memory_space<vmem>>, vector<16xi32>,
        %mul3A_293 = arith.constant 16 : i32
        %mul3A_294 = arith.muli %rem3A_288, %mul3A_293 : i32
        %swap3A_295 = arith.index_cast %select_n3A_286 : i32 to index
        %swap3A_296 = arith.index_cast %mul3A_294 : i32 to index
        %swap3A_297 = tpu.vector_load %arg13[%swap3A_295, %swap3A_296] {strides = array<i32>} : memref<26x128xi32, #tpu.memory_space<vmem>>, vector<16xi32>,
        tpu.vector_store %arg13[%swap3A_295, %swap3A_296], %get3A_292 {strides = array<i32>} : memref<26x128xi32, #tpu.memory_space<vmem>>, vector<16xi32>,
        %mul3A_298 = arith.constant 16 : i32
        %mul3A_299 = arith.muli %add3A_262, %mul3A_298 : i32
        %get3A_300 = arith.index_cast %mul3A_299 : i32 to index
        %get3A_301 = tpu.vector_load %arg12[%get3A_300] {strides = array<i32>} : memref<3328xi32, #tpu.memory_space<vmem>>, vector<16xi32>,
        %mul3A_302 = arith.constant 16 : i32
        %mul3A_303 = arith.muli %rem3A_288, %mul3A_302 : i32
        %swap3A_304 = arith.index_cast %select_n3A_286 : i32 to index
        %swap3A_305 = arith.index_cast %mul3A_303 : i32 to index
        %swap3A_306 = tpu.vector_load %arg14[%swap3A_304, %swap3A_305] {strides = array<i32>} : memref<26x128xi32, #tpu.memory_space<vmem>>, vector<16xi32>,
        tpu.vector_store %arg14[%swap3A_304, %swap3A_305], %get3A_301 {strides = array<i32>} : memref<26x128xi32, #tpu.memory_space<vmem>>, vector<16xi32>,
      }
      "tpu.region"() ({
        %run_scoped3A = tpu.sem_alloc : memref<!tpu.dma_semaphore, #tpu.memory_space<semaphore_mem>>
        %dma_start3A_260 = arith.constant 0 : i32
        %dma_start3A_261 = arith.constant 0 : i32
        %dma_start3A_262 = tpu.memref_slice %arg5[%add3A, %dma_start3A_260, %dma_start3A_261] : memref<32x26x128xi32, #tpu.memory_space<hbm>> -> memref<1x26x128xi32, #tpu.memory_space<hbm>>
        %dma_start3A_263 = tpu.memref_squeeze %dma_start3A_262 : memref<1x26x128xi32, #tpu.memory_space<hbm>> -> memref<26x128xi32, #tpu.memory_space<hbm>>
        %dma_start3A_264 = arith.constant 0 : i32
        %dma_start3A_265 = arith.constant 0 : i32
        %dma_start3A_266 = tpu.memref_slice %arg5[%add3A, %dma_start3A_264, %dma_start3A_265] : memref<32x26x128xi32, #tpu.memory_space<hbm>> -> memref<1x26x128xi32, #tpu.memory_space<hbm>>
        %dma_start3A_267 = tpu.memref_squeeze %dma_start3A_266 : memref<1x26x128xi32, #tpu.memory_space<hbm>> -> memref<26x128xi32, #tpu.memory_space<hbm>>
        tpu.enqueue_dma source(%arg13 : memref<26x128xi32, #tpu.memory_space<vmem>>) target(%dma_start3A_267 : memref<26x128xi32, #tpu.memory_space<hbm>>) target_semaphore(%run_scoped3A : memref<!tpu.dma_semaphore, #tpu.memory_space<semaphore_mem>>)
        %dma_wait3A_268 = arith.constant 0 : i32
        %dma_wait3A_269 = arith.constant 0 : i32
        %dma_wait3A_270 = tpu.memref_slice %arg5[%add3A, %dma_wait3A_268, %dma_wait3A_269] : memref<32x26x128xi32, #tpu.memory_space<hbm>> -> memref<1x26x128xi32, #tpu.memory_space<hbm>>
        %dma_wait3A_271 = tpu.memref_squeeze %dma_wait3A_270 : memref<1x26x128xi32, #tpu.memory_space<hbm>> -> memref<26x128xi32, #tpu.memory_space<hbm>>
        %dma_wait3A_272 = arith.constant 0 : i32
        %dma_wait3A_273 = arith.constant 0 : i32
        %dma_wait3A_274 = tpu.memref_slice %arg5[%add3A, %dma_wait3A_272, %dma_wait3A_273] : memref<32x26x128xi32, #tpu.memory_space<hbm>> -> memref<1x26x128xi32, #tpu.memory_space<hbm>>
        %dma_wait3A_275 = tpu.memref_squeeze %dma_wait3A_274 : memref<1x26x128xi32, #tpu.memory_space<hbm>> -> memref<26x128xi32, #tpu.memory_space<hbm>>
        tpu.wait_dma2 semaphore(%run_scoped3A : memref<!tpu.dma_semaphore, #tpu.memory_space<semaphore_mem>>) src(%arg13 : memref<26x128xi32, #tpu.memory_space<vmem>>) dst(%dma_wait3A_275 : memref<26x128xi32, #tpu.memory_space<hbm>>)
        tpu.yield
      }) : () -> ()
      "tpu.region"() ({
        %run_scoped3A = tpu.sem_alloc : memref<!tpu.dma_semaphore, #tpu.memory_space<semaphore_mem>>
        %dma_start3A_260 = arith.constant 0 : i32
        %dma_start3A_261 = arith.constant 0 : i32
        %dma_start3A_262 = tpu.memref_slice %arg6[%add3A, %dma_start3A_260, %dma_start3A_261] : memref<32x26x128xi32, #tpu.memory_space<hbm>> -> memref<1x26x128xi32, #tpu.memory_space<hbm>>
        %dma_start3A_263 = tpu.memref_squeeze %dma_start3A_262 : memref<1x26x128xi32, #tpu.memory_space<hbm>> -> memref<26x128xi32, #tpu.memory_space<hbm>>
        %dma_start3A_264 = arith.constant 0 : i32
        %dma_start3A_265 = arith.constant 0 : i32
        %dma_start3A_266 = tpu.memref_slice %arg6[%add3A, %dma_start3A_264, %dma_start3A_265] : memref<32x26x128xi32, #tpu.memory_space<hbm>> -> memref<1x26x128xi32, #tpu.memory_space<hbm>>
        %dma_start3A_267 = tpu.memref_squeeze %dma_start3A_266 : memref<1x26x128xi32, #tpu.memory_space<hbm>> -> memref<26x128xi32, #tpu.memory_space<hbm>>
        tpu.enqueue_dma source(%arg14 : memref<26x128xi32, #tpu.memory_space<vmem>>) target(%dma_start3A_267 : memref<26x128xi32, #tpu.memory_space<hbm>>) target_semaphore(%run_scoped3A : memref<!tpu.dma_semaphore, #tpu.memory_space<semaphore_mem>>)
        %dma_wait3A_268 = arith.constant 0 : i32
        %dma_wait3A_269 = arith.constant 0 : i32
        %dma_wait3A_270 = tpu.memref_slice %arg6[%add3A, %dma_wait3A_268, %dma_wait3A_269] : memref<32x26x128xi32, #tpu.memory_space<hbm>> -> memref<1x26x128xi32, #tpu.memory_space<hbm>>
        %dma_wait3A_271 = tpu.memref_squeeze %dma_wait3A_270 : memref<1x26x128xi32, #tpu.memory_space<hbm>> -> memref<26x128xi32, #tpu.memory_space<hbm>>
        %dma_wait3A_272 = arith.constant 0 : i32
        %dma_wait3A_273 = arith.constant 0 : i32
        %dma_wait3A_274 = tpu.memref_slice %arg6[%add3A, %dma_wait3A_272, %dma_wait3A_273] : memref<32x26x128xi32, #tpu.memory_space<hbm>> -> memref<1x26x128xi32, #tpu.memory_space<hbm>>
        %dma_wait3A_275 = tpu.memref_squeeze %dma_wait3A_274 : memref<1x26x128xi32, #tpu.memory_space<hbm>> -> memref<26x128xi32, #tpu.memory_space<hbm>>
        tpu.wait_dma2 semaphore(%run_scoped3A : memref<!tpu.dma_semaphore, #tpu.memory_space<semaphore_mem>>) src(%arg14 : memref<26x128xi32, #tpu.memory_space<vmem>>) dst(%dma_wait3A_275 : memref<26x128xi32, #tpu.memory_space<hbm>>)
        tpu.yield
      }) : () -> ()
    } else {
    }
    %mul3A_92 = arith.constant 512 : i32
    %mul3A_93 = arith.muli %add3A, %mul3A_92 : i32
    %add3A_94 = arith.constant 0 : i32
    %add3A_95 = arith.addi %mul3A_93, %add3A_94 : i32
    %dma_wait3A = arith.constant 0 : i32
    %dma_wait3A_96 = arith.constant 0 : i32
    %dma_wait3A_97 = tpu.memref_slice %arg9[%dma_wait3A, %dma_wait3A_96] : memref<512x128xf32, #tpu.memory_space<vmem>> -> memref<128x128xf32, #tpu.memory_space<vmem>>
    %dma_wait3A_98 = tpu.memref_slice %arg8[%add3A_95] : memref<16384xi32, #tpu.memory_space<vmem>> -> memref<128xi32, #tpu.memory_space<vmem>>
    %dma_wait3A_99 = arith.constant 0 : i32
    %dma_wait3A_100 = arith.constant 0 : i32
    %dma_wait3A_101 = tpu.memref_slice %arg2[%dma_wait3A_99, %dma_wait3A_100] : memref<100000x128xf32, #tpu.memory_space<hbm>> -> memref<100000x128xf32, #tpu.memory_space<hbm>>
    tpu.wait_indirect_dma semaphore(%arg16 : memref<!tpu.dma_semaphore, #tpu.memory_space<semaphore_mem>>) src(%dma_wait3A_101 : memref<100000x128xf32, #tpu.memory_space<hbm>>) dst(%dma_wait3A_97 : memref<128x128xf32, #tpu.memory_space<vmem>>)
    %mul3A_102 = arith.constant 512 : i32
    %mul3A_103 = arith.muli %add3A, %mul3A_102 : i32
    %add3A_104 = arith.constant 128 : i32
    %add3A_105 = arith.addi %mul3A_103, %add3A_104 : i32
    %dma_wait3A_106 = arith.constant 128 : i32
    %dma_wait3A_107 = arith.constant 0 : i32
    %dma_wait3A_108 = tpu.memref_slice %arg9[%dma_wait3A_106, %dma_wait3A_107] : memref<512x128xf32, #tpu.memory_space<vmem>> -> memref<128x128xf32, #tpu.memory_space<vmem>>
    %dma_wait3A_109 = tpu.memref_slice %arg8[%add3A_105] : memref<16384xi32, #tpu.memory_space<vmem>> -> memref<128xi32, #tpu.memory_space<vmem>>
    %dma_wait3A_110 = arith.constant 0 : i32
    %dma_wait3A_111 = arith.constant 0 : i32
    %dma_wait3A_112 = tpu.memref_slice %arg2[%dma_wait3A_110, %dma_wait3A_111] : memref<100000x128xf32, #tpu.memory_space<hbm>> -> memref<100000x128xf32, #tpu.memory_space<hbm>>
    tpu.wait_indirect_dma semaphore(%arg16 : memref<!tpu.dma_semaphore, #tpu.memory_space<semaphore_mem>>) src(%dma_wait3A_112 : memref<100000x128xf32, #tpu.memory_space<hbm>>) dst(%dma_wait3A_108 : memref<128x128xf32, #tpu.memory_space<vmem>>)
    %mul3A_113 = arith.constant 512 : i32
    %mul3A_114 = arith.muli %add3A, %mul3A_113 : i32
    %add3A_115 = arith.constant 256 : i32
    %add3A_116 = arith.addi %mul3A_114, %add3A_115 : i32
    %dma_wait3A_117 = arith.constant 256 : i32
    %dma_wait3A_118 = arith.constant 0 : i32
    %dma_wait3A_119 = tpu.memref_slice %arg9[%dma_wait3A_117, %dma_wait3A_118] : memref<512x128xf32, #tpu.memory_space<vmem>> -> memref<128x128xf32, #tpu.memory_space<vmem>>
    %dma_wait3A_120 = tpu.memref_slice %arg8[%add3A_116] : memref<16384xi32, #tpu.memory_space<vmem>> -> memref<128xi32, #tpu.memory_space<vmem>>
    %dma_wait3A_121 = arith.constant 0 : i32
    %dma_wait3A_122 = arith.constant 0 : i32
    %dma_wait3A_123 = tpu.memref_slice %arg2[%dma_wait3A_121, %dma_wait3A_122] : memref<100000x128xf32, #tpu.memory_space<hbm>> -> memref<100000x128xf32, #tpu.memory_space<hbm>>
    tpu.wait_indirect_dma semaphore(%arg16 : memref<!tpu.dma_semaphore, #tpu.memory_space<semaphore_mem>>) src(%dma_wait3A_123 : memref<100000x128xf32, #tpu.memory_space<hbm>>) dst(%dma_wait3A_119 : memref<128x128xf32, #tpu.memory_space<vmem>>)
    %mul3A_124 = arith.constant 512 : i32
    %mul3A_125 = arith.muli %add3A, %mul3A_124 : i32
    %add3A_126 = arith.constant 384 : i32
    %add3A_127 = arith.addi %mul3A_125, %add3A_126 : i32
    %dma_wait3A_128 = arith.constant 384 : i32
    %dma_wait3A_129 = arith.constant 0 : i32
    %dma_wait3A_130 = tpu.memref_slice %arg9[%dma_wait3A_128, %dma_wait3A_129] : memref<512x128xf32, #tpu.memory_space<vmem>> -> memref<128x128xf32, #tpu.memory_space<vmem>>
    %dma_wait3A_131 = tpu.memref_slice %arg8[%add3A_127] : memref<16384xi32, #tpu.memory_space<vmem>> -> memref<128xi32, #tpu.memory_space<vmem>>
    %dma_wait3A_132 = arith.constant 0 : i32
    %dma_wait3A_133 = arith.constant 0 : i32
    %dma_wait3A_134 = tpu.memref_slice %arg2[%dma_wait3A_132, %dma_wait3A_133] : memref<100000x128xf32, #tpu.memory_space<hbm>> -> memref<100000x128xf32, #tpu.memory_space<hbm>>
    tpu.wait_indirect_dma semaphore(%arg16 : memref<!tpu.dma_semaphore, #tpu.memory_space<semaphore_mem>>) src(%dma_wait3A_134 : memref<100000x128xf32, #tpu.memory_space<hbm>>) dst(%dma_wait3A_130 : memref<128x128xf32, #tpu.memory_space<vmem>>)
    %mul3A_135 = arith.constant 512 : i32
    %mul3A_136 = arith.muli %add3A, %mul3A_135 : i32
    "tpu.region"() ({
      %run_scoped3A = tpu.sem_alloc : memref<!tpu.dma_semaphore, #tpu.memory_space<semaphore_mem>>
      %dma_start3A_137 = arith.constant 0 : i32
      %dma_start3A_138 = tpu.memref_slice %arg4[%mul3A_136, %dma_start3A_137] : memref<16384x128xf32, #tpu.memory_space<hbm>> -> memref<512x128xf32, #tpu.memory_space<hbm>>
      %dma_start3A_139 = arith.constant 0 : i32
      %dma_start3A_140 = tpu.memref_slice %arg4[%mul3A_136, %dma_start3A_139] : memref<16384x128xf32, #tpu.memory_space<hbm>> -> memref<512x128xf32, #tpu.memory_space<hbm>>
      tpu.enqueue_dma source(%arg9 : memref<512x128xf32, #tpu.memory_space<vmem>>) target(%dma_start3A_140 : memref<512x128xf32, #tpu.memory_space<hbm>>) target_semaphore(%run_scoped3A : memref<!tpu.dma_semaphore, #tpu.memory_space<semaphore_mem>>)
      %dma_wait3A_141 = arith.constant 0 : i32
      %dma_wait3A_142 = tpu.memref_slice %arg4[%mul3A_136, %dma_wait3A_141] : memref<16384x128xf32, #tpu.memory_space<hbm>> -> memref<512x128xf32, #tpu.memory_space<hbm>>
      %dma_wait3A_143 = arith.constant 0 : i32
      %dma_wait3A_144 = tpu.memref_slice %arg4[%mul3A_136, %dma_wait3A_143] : memref<16384x128xf32, #tpu.memory_space<hbm>> -> memref<512x128xf32, #tpu.memory_space<hbm>>
      tpu.wait_dma2 semaphore(%run_scoped3A : memref<!tpu.dma_semaphore, #tpu.memory_space<semaphore_mem>>) src(%arg9 : memref<512x128xf32, #tpu.memory_space<vmem>>) dst(%dma_wait3A_144 : memref<512x128xf32, #tpu.memory_space<hbm>>)
      tpu.yield
    }) : () -> ()
    return
  }
}

module attributes {stable_mosaic.version = 14 : i64} {
  func.func @body(%arg0: i32, %arg1: memref<8192x32xf32, #tpu.memory_space<vmem>>, %arg2: memref<8192x128xf32, #tpu.memory_space<vmem>>, %arg3: memref<32x384xf32, #tpu.memory_space<vmem>>, %arg4: memref<128x384xf32, #tpu.memory_space<vmem>>, %arg5: memref<1x384xf32, #tpu.memory_space<vmem>>, %arg6: memref<1x384xf32, #tpu.memory_space<vmem>>, %arg7: memref<100000x128xf32, #tpu.memory_space<any>>, %arg8: memref<8192x128xf32, #tpu.memory_space<vmem>>, %arg9: memref<100000x128xf32, #tpu.memory_space<any>>) attributes {dimension_semantics = [#tpu.dimension_semantics<arbitrary>], iteration_bounds = array<i64: 2>, scalar_prefetch = 0 : i64, scratch_operands = 0 : i64, tpu.core_type = #tpu.core_type<tc>, window_params = [{transform_indices = @transform_0, window_bounds = array<i64: 8192, 32>}, {transform_indices = @transform_1, window_bounds = array<i64: 8192, 128>}, {pipeline_mode = #tpu.pipeline_mode<synchronous>, transform_indices = @transform_2, window_bounds = array<i64: 32, 384>}, {pipeline_mode = #tpu.pipeline_mode<synchronous>, transform_indices = @transform_3, window_bounds = array<i64: 128, 384>}, {pipeline_mode = #tpu.pipeline_mode<synchronous>, transform_indices = @transform_4, window_bounds = array<i64: 1, 384>}, {pipeline_mode = #tpu.pipeline_mode<synchronous>, transform_indices = @transform_5, window_bounds = array<i64: 1, 384>}, {}, {transform_indices = @transform_7, window_bounds = array<i64: 8192, 128>}, {}]} {
    %get3A = arith.constant 0 : index
    %get3A_0 = arith.constant 0 : index
    %get3A_1 = vector.load %arg1[%get3A, %get3A_0] : memref<8192x32xf32, #tpu.memory_space<vmem>>, vector<8192x32xf32>
    %get3A_2 = arith.constant 0 : index
    %get3A_3 = arith.constant 0 : index
    %get3A_4 = vector.load %arg2[%get3A_2, %get3A_3] : memref<8192x128xf32, #tpu.memory_space<vmem>>, vector<8192x128xf32>
    %get3A_5 = arith.constant 0 : index
    %get3A_6 = arith.constant 0 : index
    %get3A_7 = vector.load %arg3[%get3A_5, %get3A_6] : memref<32x384xf32, #tpu.memory_space<vmem>>, vector<32x384xf32>
    %dot_general3A = arith.constant dense<0.000000e+00> : vector<8192x384xf32>
    %dot_general3A_8 = tpu.matmul %get3A_1, %get3A_7, %dot_general3A {dimension_numbers = #tpu.dot_dimension_numbers<[1], [0], [0], [1], [0, 0, 1, 1], [], []>, transpose_lhs_hint = false} : vector<8192x32xf32>, vector<32x384xf32>, vector<8192x384xf32> -> vector<8192x384xf32>
    %get3A_9 = arith.constant 0 : index
    %get3A_10 = arith.constant 0 : index
    %get3A_11 = vector.load %arg5[%get3A_9, %get3A_10] : memref<1x384xf32, #tpu.memory_space<vmem>>, vector<1x384xf32>
    %add3A = vector.broadcast %get3A_11 : vector<1x384xf32> to vector<8192x384xf32>
    %add3A_12 = arith.addf %dot_general3A_8, %add3A : vector<8192x384xf32>
    %get3A_13 = arith.constant 0 : index
    %get3A_14 = arith.constant 0 : index
    %get3A_15 = vector.load %arg4[%get3A_13, %get3A_14] : memref<128x384xf32, #tpu.memory_space<vmem>>, vector<128x384xf32>
    %dot_general3A_16 = arith.constant dense<0.000000e+00> : vector<8192x384xf32>
    %dot_general3A_17 = tpu.matmul %get3A_4, %get3A_15, %dot_general3A_16 {dimension_numbers = #tpu.dot_dimension_numbers<[1], [0], [0], [1], [0, 0, 1, 1], [], []>, transpose_lhs_hint = false} : vector<8192x128xf32>, vector<128x384xf32>, vector<8192x384xf32> -> vector<8192x384xf32>
    %get3A_18 = arith.constant 0 : index
    %get3A_19 = arith.constant 0 : index
    %get3A_20 = vector.load %arg6[%get3A_18, %get3A_19] : memref<1x384xf32, #tpu.memory_space<vmem>>, vector<1x384xf32>
    %add3A_21 = vector.broadcast %get3A_20 : vector<1x384xf32> to vector<8192x384xf32>
    %add3A_22 = arith.addf %dot_general3A_17, %add3A_21 : vector<8192x384xf32>
    %slice3A = vector.extract_strided_slice %add3A_12 {offsets = [0, 0], sizes = [8192, 128], strides = [1, 1]} : vector<8192x384xf32> to vector<8192x128xf32>
    %slice3A_23 = vector.extract_strided_slice %add3A_22 {offsets = [0, 0], sizes = [8192, 128], strides = [1, 1]} : vector<8192x384xf32> to vector<8192x128xf32>
    %add3A_24 = arith.addf %slice3A, %slice3A_23 : vector<8192x128xf32>
    %logistic3A = arith.negf %add3A_24 : vector<8192x128xf32>
    %logistic3A_25 = math.exp %logistic3A : vector<8192x128xf32>
    %logistic3A_26 = arith.constant 1.000000e+00 : f32
    %logistic3A_27 = vector.broadcast %logistic3A_26 : f32 to vector<8192x128xf32>
    %logistic3A_28 = arith.addf %logistic3A_27, %logistic3A_25 : vector<8192x128xf32>
    %logistic3A_29 = arith.divf %logistic3A_27, %logistic3A_28 : vector<8192x128xf32>
    %slice3A_30 = vector.extract_strided_slice %add3A_12 {offsets = [0, 128], sizes = [8192, 128], strides = [1, 1]} : vector<8192x384xf32> to vector<8192x128xf32>
    %slice3A_31 = vector.extract_strided_slice %add3A_22 {offsets = [0, 128], sizes = [8192, 128], strides = [1, 1]} : vector<8192x384xf32> to vector<8192x128xf32>
    %add3A_32 = arith.addf %slice3A_30, %slice3A_31 : vector<8192x128xf32>
    %logistic3A_33 = arith.negf %add3A_32 : vector<8192x128xf32>
    %logistic3A_34 = math.exp %logistic3A_33 : vector<8192x128xf32>
    %logistic3A_35 = arith.constant 1.000000e+00 : f32
    %logistic3A_36 = vector.broadcast %logistic3A_35 : f32 to vector<8192x128xf32>
    %logistic3A_37 = arith.addf %logistic3A_36, %logistic3A_34 : vector<8192x128xf32>
    %logistic3A_38 = arith.divf %logistic3A_36, %logistic3A_37 : vector<8192x128xf32>
    %slice3A_39 = vector.extract_strided_slice %add3A_12 {offsets = [0, 256], sizes = [8192, 128], strides = [1, 1]} : vector<8192x384xf32> to vector<8192x128xf32>
    %slice3A_40 = vector.extract_strided_slice %add3A_22 {offsets = [0, 256], sizes = [8192, 128], strides = [1, 1]} : vector<8192x384xf32> to vector<8192x128xf32>
    %mul3A = arith.mulf %logistic3A_29, %slice3A_40 : vector<8192x128xf32>
    %add3A_41 = arith.addf %slice3A_39, %mul3A : vector<8192x128xf32>
    %tanh3A = math.tanh %add3A_41 : vector<8192x128xf32>
    %sub3A = arith.constant 1.000000e+00 : f32
    %sub3A_42 = vector.broadcast %sub3A : f32 to vector<8192x128xf32>
    %sub3A_43 = arith.subf %sub3A_42, %logistic3A_38 : vector<8192x128xf32>
    %mul3A_44 = arith.mulf %sub3A_43, %tanh3A : vector<8192x128xf32>
    %mul3A_45 = arith.mulf %logistic3A_38, %get3A_4 : vector<8192x128xf32>
    %add3A_46 = arith.addf %mul3A_44, %mul3A_45 : vector<8192x128xf32>
    %swap3A = arith.constant 0 : index
    %swap3A_47 = arith.constant 0 : index
    %swap3A_48 = vector.load %arg8[%swap3A, %swap3A_47] : memref<8192x128xf32, #tpu.memory_space<vmem>>, vector<8192x128xf32>
    tpu.vector_store %arg8[%swap3A, %swap3A_47], %add3A_46 {strides = array<i32>} : memref<8192x128xf32, #tpu.memory_space<vmem>>, vector<8192x128xf32>,
    return
  }
  func.func @transform_0(%arg0: i32) -> (i32, i32) {
    %c0_i32 = arith.constant 0 : i32
    %c0_i32_0 = arith.constant 0 : i32
    return %arg0, %c0_i32 : i32, i32
  }
  func.func @transform_1(%arg0: i32) -> (i32, i32) {
    %c0_i32 = arith.constant 0 : i32
    %c0_i32_0 = arith.constant 0 : i32
    return %arg0, %c0_i32 : i32, i32
  }
  func.func @transform_2(%arg0: i32) -> (i32, i32) {
    %c0_i32 = arith.constant 0 : i32
    %c0_i32_0 = arith.constant 0 : i32
    %c0_i32_1 = arith.constant 0 : i32
    return %c0_i32, %c0_i32_0 : i32, i32
  }
  func.func @transform_3(%arg0: i32) -> (i32, i32) {
    %c0_i32 = arith.constant 0 : i32
    %c0_i32_0 = arith.constant 0 : i32
    %c0_i32_1 = arith.constant 0 : i32
    return %c0_i32, %c0_i32_0 : i32, i32
  }
  func.func @transform_4(%arg0: i32) -> (i32, i32) {
    %c0_i32 = arith.constant 0 : i32
    %c0_i32_0 = arith.constant 0 : i32
    %c0_i32_1 = arith.constant 0 : i32
    return %c0_i32, %c0_i32_0 : i32, i32
  }
  func.func @transform_5(%arg0: i32) -> (i32, i32) {
    %c0_i32 = arith.constant 0 : i32
    %c0_i32_0 = arith.constant 0 : i32
    %c0_i32_1 = arith.constant 0 : i32
    return %c0_i32, %c0_i32_0 : i32, i32
  }
  func.func @transform_7(%arg0: i32) -> (i32, i32) {
    %c0_i32 = arith.constant 0 : i32
    %c0_i32_0 = arith.constant 0 : i32
    return %arg0, %c0_i32 : i32, i32
  }
}

</mosaic_0001>

<sc_bundles>
// kernel: kernel.5.cloned.1.call-start
scs
__scs_entry_jumppad:
0x0: {  	(pc) =	sbr.rel $0x88, $3  }
0x1: {  	(tag) =	ssettag $0x0;
	lr =	simm.s32 $0x1  }
0x2: {  	[smem:$0x3F9A] =	sst lr;
	_ =	strace $0xD0000000  }
0x3: {  	_ = 	snop  }
0x4: {  	_ = 	snop  }
0x5: {  	_ = 	snop  }
0x6: {  	_ = 	snop  }
0x7: {  	_ = 	snop  }
__scs_overlays_trampoline_lowered:
0x8: {  	[smem:$0x3FA9] =	sst s0  }
0x9: {  	[smem:$0x3FAA] =	sst s1  }
0xa: {  	[smem:$0x3FAB] =	sst s2  }
0xb: {  	[smem:$0x3FAC] =	sst s3  }
0xc: {  	[smem:$0x3FAD] =	sst s4  }
0xd: {  	[smem:$0x3FAE] =	sst s5  }
0xe: {  	[smem:$0x3FAF] =	sst s6  }
0xf: {  	[smem:$0x3FB0] =	sst s7  }
0x10: {  	[smem:$0x3FB1] =	sst s8  }
0x11: {  	[smem:$0x3FB2] =	sst s9;
	s0 =	simm.s32 @!p0 $0x0  }
0x12: {  	s1 =	sld [smem:$0x3F98];
	s0 =	simm.s32 @p0 $0x1  }
0x13: {  	[smem:$0x3FB3] =	sst s0;
	s0 =	simm.s32 @!p1 $0x0  }
0x14: {  	s2 =	sld [smem:$0x3F97];
	s0 =	simm.s32 @p1 $0x1  }
0x15: {  	[smem:$0x3FB4] =	sst s0;
	s0 =	simm.s32 @!p2 $0x0  }
0x16: {  	s3 =	sld [smem:$0x3FDB];
	s0 =	simm.s32 @p2 $0x1  }
0x17: {  	s4 =	simm.s32 $0x1BF5;
	[smem:$0x3FB6] =	sst s0  }
0x18: {  	s0 =	sld [smem:$0x3F99];
	_ =	swait.ge [sflag:s4], $0x0  }
0x19: {  	s7 =	sld [smem:$0x3F9A]  }
0x1a: {  	s8 =	sadd.s32 $0xFFFFE003, lr  }
0x1b: {  	s9 =	sadd.s32 $0xFFFFFEF7, lr;
	s5 =	simm.s32 $0xFFFFFFFF;
	p2 =	slt.u32 s8, $0xFFFFF086  }
0x1c: {  	p1 =	slt.u32 s9, $0xF7A;
	s5 =	simm.s32 @!p2 $0x0  }
0x1d: {  	s5 =	simm.s32 @p1 $0x1;
	p0 =	seq.s32 s7, s2  }
0x1e: {  	s7 =	smul.u32 @!p0 $0xF7A, s2;
	p2 =	seq.s32 @!p0 s5, $0x0  }
0x1f: {  	s9 =	smul.u32 $0xF7A, s1;
	s8 =	simm.s32 @!p0 $0x1BF5;
	p2 =	por !p2, p0  }
0x20: {  	[sflag:s8] =	ssyncset.s32 @!p0 $0xFFFFF086;
	s6 =	sadd.s32 @!p0 s3, s7;
	s7 =	simm.s32 @!p0 $0x108  }
0x21: {  	s3 =	sadd.s32 s3, s9;
	s6 =	sadd.s32 @!p0 $0x88, s6;
	s7 =	simm.s32 @p2 $0x1082  }
0x22: {  	[simem:s7], [sflag:s8] =	dma.local @!p0 [hbm:s6], $0xF7A  }
0x23: {  	s9 =	sor.u32 $0xD0000000, s2;
	s6 =	simm.s32 $0x108;
	_ =	swait.ge @!p0 [sflag:s8], $0x0  }
0x24: {  	s3 =	sadd.s32 $0x88, s3;
	s6 =	simm.s32 @!p1 $0x1082;
	[sflag:s4] =	ssyncset.s32 $0xFFFFF086  }
0x25: {  	[simem:s6], [sflag:s4] =	dma.local [hbm:s3], $0xF7A  }
0x26: {  	[smem:$0x3F9A] =	sst s1;
	(tag) =	ssettag s2;
	_ =	strace s9  }
0x27: {  	s1 =	sld [smem:$0x3FAA]  }
0x28: {  	s2 =	sld [smem:$0x3FAB]  }
0x29: {  	s4 =	sld [smem:$0x3FAD]  }
0x2a: {  	p0 =	seq.s32 s5, $0x0;
	s5 =	sld [smem:$0x3FAE]  }
0x2b: {  	s6 =	sld [smem:$0x3FAF]  }
0x2c: {  	s7 =	sld [smem:$0x3FB0]  }
0x2d: {  	s3 =	simm.s32 $0x108;
	s8 =	sld [smem:$0x3FB1]  }
0x2e: {  	s3 =	simm.s32 @!p0 $0x1082;
	s9 =	sld [smem:$0x3FB2]  }
0x2f: {  	lr =	sadd.s32 s0, s3;
	s0 =	sld [smem:$0x3FA9]  }
0x30: {  	s3 =	sld [smem:$0x3FAC]  }
0x31: {  	[smem:$0x3FB5] =	sst s10  }
0x32: {  	s10 =	sld [smem:$0x3FB3];
	_ =	sdelay $0x3  }
0x33: {  	p0 =	seq.s32 s10, $0x1;
	s10 =	sld [smem:$0x3FB5];
	_ =	sdelay $0x3  }
0x34: {  	[smem:$0x3FB5] =	sst s10  }
0x35: {  	s10 =	sld [smem:$0x3FB4];
	_ =	sdelay $0x3  }
0x36: {  	p1 =	seq.s32 s10, $0x1;
	s10 =	sld [smem:$0x3FB5];
	_ =	sdelay $0x3  }
0x37: {  	[smem:$0x3FB5] =	sst s10  }
0x38: {  	s10 =	sld [smem:$0x3FB6]  }
0x39: {  	_ = 	snop;
	(pc) =	sbr.ind lr, $3  }
0x3a: {  	_ = 	snop  }
0x3b: {  	_ = 	snop  }
0x3c: {  	p2 =	seq.s32 s10, $0x1;
	s10 =	sld [smem:$0x3FB5]  }
0x3d: {  	_ =	shalt  }
0x3e: {  	_ =	shalt  }
0x3f: {  	_ =	shalt  }
0x40: {  	_ =	shalt  }
0x41: {  	_ =	shalt  }
0x42: {  	_ =	shalt  }
0x43: {  	_ =	shalt  }
0x44: {  	_ =	shalt  }
0x45: {  	_ =	shalt  }
0x46: {  	_ =	shalt  }
0x47: {  	_ =	shalt  }
0x48: {  	_ =	shalt  }
0x49: {  	_ =	shalt  }
0x4a: {  	_ =	shalt  }
0x4b: {  	_ =	shalt  }
0x4c: {  	_ =	shalt  }
0x4d: {  	_ =	shalt  }
0x4e: {  	_ =	shalt  }
0x4f: {  	_ =	shalt  }
0x50: {  	_ =	shalt  }
0x51: {  	_ =	shalt  }
0x52: {  	_ =	shalt  }
0x53: {  	_ =	shalt  }
0x54: {  	_ =	shalt  }
0x55: {  	_ =	shalt  }
0x56: {  	_ =	shalt  }
0x57: {  	_ =	shalt  }
0x58: {  	_ =	shalt  }
0x59: {  	_ =	shalt  }
0x5a: {  	_ =	shalt  }
0x5b: {  	_ =	shalt  }
0x5c: {  	_ =	shalt  }
0x5d: {  	_ =	shalt  }
0x5e: {  	_ =	shalt  }
0x5f: {  	_ =	shalt  }
0x60: {  	_ =	shalt  }
0x61: {  	_ =	shalt  }
0x62: {  	_ =	shalt  }
0x63: {  	_ =	shalt  }
0x64: {  	_ =	shalt  }
0x65: {  	_ =	shalt  }
0x66: {  	_ =	shalt  }
0x67: {  	_ =	shalt  }
0x68: {  	_ =	shalt  }
0x69: {  	_ =	shalt  }
0x6a: {  	_ =	shalt  }
0x6b: {  	_ =	shalt  }
0x6c: {  	_ =	shalt  }
0x6d: {  	_ =	shalt  }
0x6e: {  	_ =	shalt  }
0x6f: {  	_ =	shalt  }
0x70: {  	_ =	shalt  }
0x71: {  	_ =	shalt  }
0x72: {  	_ =	shalt  }
0x73: {  	_ =	shalt  }
0x74: {  	_ =	shalt  }
0x75: {  	_ =	shalt  }
0x76: {  	_ =	shalt  }
0x77: {  	_ =	shalt  }
0x78: {  	_ =	shalt  }
0x79: {  	_ =	shalt  }
0x7a: {  	_ =	shalt  }
0x7b: {  	_ =	shalt  }
0x7c: {  	_ =	shalt  }
0x7d: {  	_ =	shalt  }
0x7e: {  	_ =	shalt  }
0x7f: {  	_ =	shalt  }
0x80: {  	_ =	shalt  }
0x81: {  	_ =	shalt  }
0x82: {  	_ =	shalt  }
0x83: {  	_ =	shalt  }
0x84: {  	_ =	shalt  }
0x85: {  	_ =	shalt  }
0x86: {  	_ =	shalt  }
0x87: {  	_ =	shalt  }
.Lfunc_end0:
.L_simem_size_0:
called_computation_lowered:
.L_overlay_start_0:
0x88: {  	s2 =	sld [smem:$0x3FD9]  }
0x89: {  	s3 =	sld [smem:$0x3FFE];
	_ =	sdelay $0x1  }
0x8a: {  	s1 =	srdreg.scid  }
0x8b: {  	s0 =	sand.u32 $0x1, s1  }
0x8c: {  	s17 =	sshll.u32 s0, $0xA;
	s2 =	sadd.s32 s3, s2  }
0x8d: {  	s2 =	sadd.s32 s2, s17  }
0x8e: {  	[smem:$0x3FC1] =	sst s2  }
0x8f: {  	_ = 	snop  }
0x90: {  	s2 =	sld [smem:$0x3FC7]  }
0x91: {  	s18 =	sld [smem:$0x3FD0];
	(tm) =	ssettm $0x1  }
0x92: {  	s4 =	sld [smem:$0x3FFB];
	_ =	sdelay $0x3  }
0x93: {  	_ =	strace s4  }
0x94: {  	s4 =	sld [smem:$0x3FFC];
	_ =	sdelay $0x3  }
0x95: {  	_ =	strace s4  }
0x96: {  	s4 =	sld [smem:$0x3FFD];
	_ =	sdelay $0x3  }
0x97: {  	_ =	strace s4  }
0x98: {  	_ =	strace $0x8FFFFFFF  }
0x99: {  	s19 =	sld [smem:$0x3FDB];
	_ =	sdelay $0x1  }
0x9a: {  	s5 =	simm.s32 $_scs_section_size  }
0x9b: {  	s6 =	simm.s32 $_size__tile_overlayer_lowered;
	s7 =	simm.s32 $_tile_overlayer_lowered  }
0x9c: {  	s22 =	simm.s32 $0x1BFF;
	s21 =	sshll.u32 s7, $0x1;
	s4 =	sadd.s32 s5, s19  }
0x9d: {  	s8 =	simm.s32 $0x0;
	s20 =	sshll.u32 s6, $0x1;
	s6 =	sadd.s32 s21, s4  }
0x9e: {  	[timem:s8], [sflag:s22] =	dma.local [hbm:s6], s20  }
0x9f: {  	_ =	swait.ge [sflag:s22], s20  }
0xa0: {  	s5 =	ssub.s32 $0x0, s20;
	[sflag:s22] =	ssyncset.done $0x0  }
0xa1: {  	[sflag:s22] =	ssyncadd.s32 s5;
	_ =	sdelay $0x1  }
0xa2: {  	s23 =	simm.s32 $0x1B8B  }
0xa3: {  	_ =	swait.ge [sflag:s23], $0x1  }
0xa4: {  	[sflag:s23] =	ssyncset.done $0x0  }
0xa5: {  	s25 =	simm.s32 $0x1B8E;
	s24 =	sld [smem:$0x3FFE];
	[sflag:s23] =	ssyncadd.s32 $0xFFFFFFFF  }
0xa6: {  	s26 =	simm.s32 $execute0_lowered;
	[smem:$0x3FD2] =	sst s25  }
0xa7: {  	s6 =	sshll.u32 s26, $0x1;
	_ =	strace $0x80000046;
	[dreg:$0x1] =	wrdreg $0xFFFFFFFF  }
0xa8: {  	s28 =	simm.s32 $_size_execute0_lowered;
	s4 =	sadd.s32 s4, s6;
	[dreg:$0x0] =	wrdreg $0x0  }
0xa9: {  	s6 =	sshll.u32 s28, $0x1;
	[dreg:$0x2] =	wrdreg s4  }
0xaa: {  	[dreg:$0x3] =	wrdreg s6  }
0xab: {  	[dreg:$0x4] =	wrdreg $0xC0  }
0xac: {  	_ =	task [dreg:s8], $0x5FFFF  }
0xad: {  	[dreg:$0x1] =	wrdreg $0xFFFFFFFF  }
0xae: {  	[dreg:$0x0] =	wrdreg $0x60  }
0xaf: {  	[dreg:$0x2] =	wrdreg s18  }
0xb0: {  	[dreg:$0x3] =	wrdreg s2  }
0xb1: {  	[dreg:$0x4] =	wrdreg s24  }
0xb2: {  	[dreg:$0x5] =	wrdreg $0x9  }
0xb3: {  	_ =	task.clear_ibuf [dreg:s8], $0x6FFFF;
	_ =	strace $0x90000046  }
0xb4: {  	s29 =	simm.s32 $0x9;
	_ =	strace $0x80000048  }
0xb5: {  	_ =	swait.ge [sflag:s29], $0x1  }
0xb6: {  	[sflag:s29] =	ssyncadd.s32 $0xFFFFFFFF  }
0xb7: {  	_ =	strace $0x90000048  }
0xb8: {  	_ =	sfence  }
0xb9: {  	s30 =	sld [smem:$0x0];
	_ =	sdelay $0x2  }
0xba: {  	s31 =	sshll.u32 s1, $0xD;
	s1 =	sshrl.u32 s1, $0x2  }
0xbb: {  	s3 =	sand.u32 $0x4000, s31;
	s1 =	sadd.s32 s1, s30  }
0xbc: {  	s0 =	sor.u32 s3, s0;
	s1 =	sshll.u32 s1, $0x11  }
0xbd: {  	s0 =	sor.u32 s1, s0  }
0xbe: {  	s0 =	sadd.s32 $0x8F2B, s0  }
0xbf: {  	[sflag:s0] =	ssyncadd.remote.s32 $0x1  }
0xc0: {  	_ =	sfence.sel $0xFFFF  }
0xc1: {  	[dreg:$0x0] =	wrdreg $0xFFFFFFFF;
	(pc) =	sbr.abs _section_cstart, $3  }
0xc2: {  	[dreg:$0x1] =	wrdreg $0xFFFFFFFF  }
0xc3: {  	_ =	task.clear_ibuf [dreg:s8], $0x2FFFF;
	_ =	strace $0x9FFFFFFF  }
0xc4: {  	(tm) =	ssettm $0x7FFFFFFF  }
0xc5: {  	_ =	shalt  }
tec
execute0_lowered:
.L_overlay_start_1:
0x0: {  	(tag) =	ssettag $0x1  }
0x1: {  	s1 =	rddreg [dreg:$0x0]  }
0x2: {  	s0 =	rddreg [dreg:$0x2]  }
0x3: {  	s2 =	srdreg.scid;
	s3 =	stileid.u32  }
0x4: {  	s4 =	simm.s32 $0x0;
	s15 =	simm.s32 $0x2;
	s16 =	simm.s32 $0x80  }
0x5: {  	s17 =	simm.s32 $0x4000;
	s18 =	simm.s32 $0x8000;
	s19 =	simm.s32 $0xC000  }
0x6: {  	s20 =	simm.s32 $0x10000;
	s23 =	simm.s32 $0x18680;
	s26 =	simm.s32 $0x0  }
0x7: {  	s2 =	sand.u32 $0x1, s2;
	s5 =	sshll.u32 s3, $0x1;
	[smem:$0x7FF] =	sst s4  }
0x8: {  	s14 =	smul.u32 $0x186A, s3;
	s6 =	sor.u32 s2, s5;
	_ =	strace $0x80000047  }
0x9: {  	s7 =	ssub.s32 $0x2, s2;
	s2 =	smul.u32 $0xC35, s2;
	s5 =	sshll.u32 s6, $0xD  }
0xa: {  	s8 =	sshll.u32 s6, $0x4;
	s9 =	sshrl.u32 s7, $0x1;
	s21 =	smul.u32 $0xC35, s6  }
0xb: {  	s12 =	sadd.s32 s5, s0;
	s5 =	sshll.u32 s6, $0x9;
	s13 =	ssub.s32 s7, s9  }
.Ltmp0:
0xc: {  	s14 =	sadd.s32 s2, s14;
	s11 =	sadd.s32 s5, s0;
	(pc) =	sbr.rel .LBB2_1-.Ltmp0, $4  }
0xd: {  	s0 =	sadd.s32 s8, s0;
	s22 =	sadd.s32 $0xC35, s21;
	s6 =	sor.u32 $0x80, s5  }
0xe: {  	s7 =	sor.u32 $0x100, s5;
	s8 =	sor.u32 $0x180, s5;
	s12 =	sadd.s32 $0x1A00, s12  }
0xf: {  	v2 =	vimm.s32 $0xFFFFFFFF;
	s13 =	smax.u32 s13, $0x1;
	v0 =	vmov s21;
	s21 =	simm.s32 $0x14000;
	s9 =	sadd.s32 $0x49A00, s0  }
0x10: {  	v3 =	vlaneseq.u32;
	vm0 =	vmmov $0x1;
	s10 =	sadd.s32 $0x41A00, s11;
	s11 =	sadd.s32 $0x45A00, s11;
	v1 =	vmov s22;
	s22 =	simm.s32 $0x1  }
.LBB2_17:
0x11: {  	s30 =	simm.s32 $0x16680;
	s2 =	simm.s32 $0x15980;
	s31 =	simm.s32 $0x17680  }
.LBB2_21:
0x12: {  	s3 =	sadd.s32 @p0 $0x10, s30  }
0x13: {  	s2 =	sadd.s32 @p0 $0x10, s2;
	s29 =	smov.u32 @p0 s3  }
0x14: {  	s0 =	smov.u32 @p0 s2;
	[tilespmem:s29+$0x0] =	vst v4  }
0x15: {  	v4 =	vld [tilespmem:s0+$0x0];
	_ =	sdelay $0x2  }
0x16: {  	s0 =	sadd.s32 @p0 $0x10, s31  }
0x17: {  	s28 =	smov.u32 @p0 s0  }
0x18: {  	[tilespmem:s28+$0x0] =	vst v4  }
.LBB2_22:
0x19: {  	s0 =	simm.s32 $0x16680  }
0x1a: {  	[hbm4b:s10+s4] =	stream.linear.scatter [tilespmem:s0], [sflag:$0x2], $0xD00, $0x38;
	[tilespmem:$0x18700] =	vst v63  }
0x1b: {  	_ =	swait.ge [sflag:s15], $0xD00  }
0x1c: {  	[sflag:s15] =	ssyncset.done $0x0  }
0x1d: {  	s31 =	simm.s32 $0x17680;
	[sflag:s15] =	ssyncadd.s32 $0xFFFFF300  }
0x1e: {  	[hbm4b:s11+s4] =	stream.linear.scatter [tilespmem:s31], [sflag:$0x2], $0xD00, $0x38;
	[tilespmem:$0x18700] =	vst v63  }
0x1f: {  	_ =	swait.ge [sflag:s15], $0xD00  }
0x20: {  	[sflag:s15] =	ssyncset.done $0x0  }
0x21: {  	[sflag:s15] =	ssyncadd.s32 $0xFFFFF300  }
.LBB2_23:
0x22: {  	_ =	swait.ge [sflag:s22], $0x4000  }
0x23: {  	[sflag:s22] =	ssyncset.done $0x0  }
0x24: {  	[sflag:s22] =	ssyncadd.s32 $0xFFFFC000  }
0x25: {  	_ =	swait.ge [sflag:s22], $0x4000  }
0x26: {  	[sflag:s22] =	ssyncset.done $0x0  }
0x27: {  	[sflag:s22] =	ssyncadd.s32 $0xFFFFC000  }
0x28: {  	_ =	swait.ge [sflag:s22], $0x4000  }
0x29: {  	[sflag:s22] =	ssyncset.done $0x0  }
0x2a: {  	[sflag:s22] =	ssyncadd.s32 $0xFFFFC000  }
0x2b: {  	s26 =	sadd.s32 $0x1, s26;
	_ =	swait.ge [sflag:s22], $0x4000  }
0x2c: {  	p0 =	sne.s32 s26, s13;
	[sflag:s22] =	ssyncset.done $0x0  }
.Ltmp1:
0x2d: {  	[sflag:s22] =	ssyncadd.s32 $0xFFFFC000;
	(pc) =	sbr.rel @!p0 .LBB2_24-.Ltmp1, $4  }
0x2e: {  	[hbm4b:s12+s4] =	stream.linear.scatter [tilespmem:s17], [sflag:$0x2], $0x10000, $0x38;
	[tilespmem:$0x18700] =	vst v63  }
0x2f: {  	_ =	swait.ge [sflag:s15], $0x10000  }
0x30: {  	[sflag:s15] =	ssyncset.done $0x0  }
0x31: {  	[sflag:s15] =	ssyncadd.s32 $0xFFFF0000  }
.LBB2_1:
0x32: {  	s0 =	rddreg [dreg:$0x1]  }
0x33: {  	[tilespmem:s4], [sflag:$0x2] =	stream.linear.gather [hbm4b:s0+s4], $0x4000, $0x38;
	[tilespmem:$0x18700] =	vst v63  }
0x34: {  	_ =	swait.ge [sflag:s15], $0x4000  }
0x35: {  	[sflag:s15] =	ssyncset.done $0x0  }
0x36: {  	[sflag:s15] =	ssyncadd.s32 $0xFFFFC000  }
0x37: {  	[tilespmem:s17], [sflag:$0x1] =	stream.indirect.gather [hbm4b:s1+s16], $0x80, s5, s16, $0xb8;
	[tilespmem:$0x18700] =	vst v63  }
0x38: {  	_ = 	snop  }
0x39: {  	[tilespmem:s18], [sflag:$0x1] =	stream.indirect.gather [hbm4b:s1+s16], $0x80, s6, s16, $0xb8;
	[tilespmem:$0x18700] =	vst v63  }
0x3a: {  	_ = 	snop  }
0x3b: {  	[tilespmem:s19], [sflag:$0x1] =	stream.indirect.gather [hbm4b:s1+s16], $0x80, s7, s16, $0xb8;
	[tilespmem:$0x18700] =	vst v63  }
0x3c: {  	s0 =	simm.s32 $0x0  }
0x3d: {  	[tilespmem:s20], [sflag:$0x1] =	stream.indirect.gather [hbm4b:s1+s16], $0x80, s8, s16, $0xb8;
	[tilespmem:$0x18700] =	vst v63  }
.LBB2_2:
0x3e: {  	p0 =	sne.s32 s0, $0x30C0  }
.Ltmp2:
0x3f: {  	_ = 	snop;
	(pc) =	sbr.rel @p0 .LBB2_2-.Ltmp2, $3  }
0x40: {  	_ =	sdelay $0x1  }
0x41: {  	s2 =	sshra.s32 s0, $0x2  }
0x42: {  	s0 =	sadd.s32 $0x40, s0;
	[tilespmem:s2+$0x14000] =	vst v2  }
0x43: {  	s28 =	simm.s32 $0x0;
	s0 =	simm.s32 $0x20;
	s29 =	simm.s32 $0x0  }
.LBB2_4:
0x44: {  	v4 =	vld [tilespmem:s0+$0xFFFFFFE0];
	_ =	sdelay $0x4  }
0x45: {  	vm1 =	vge.s32 v4, v0;
	vm2 =	vlt.s32 v4, v1  }
0x46: {  	vm1 =	vmand vm1, vm2  }
0x47: {  	v4 =	vsub.s32 v4, v0;
	_ =	sdelay $0x3  }
0x48: {  	v5 =	vor.u32 s29, v3  }
0x49: {  	[tilespmem:v4+s21+$0x0] =	vst.idx.msk vm1, v5  }
0x4a: {  	v4 =	vld [tilespmem:s0+$0xFFFFFFF0];
	_ =	sdelay $0x4  }
0x4b: {  	vm1 =	vge.s32 v4, v0;
	vm2 =	vlt.s32 v4, v1  }
0x4c: {  	vm1 =	vmand vm1, vm2  }
0x4d: {  	v4 =	vsub.s32 v4, v0;
	_ =	sdelay $0x2  }
0x4e: {  	s2 =	sadd.s32 $0x10, s29  }
0x4f: {  	v5 =	vor.u32 s2, v3  }
0x50: {  	[tilespmem:v4+s21+$0x0] =	vst.idx.msk vm1, v5  }
0x51: {  	v4 =	vld [tilespmem:s0+$0x0];
	_ =	sdelay $0x4  }
0x52: {  	vm1 =	vge.s32 v4, v0;
	vm2 =	vlt.s32 v4, v1  }
0x53: {  	vm1 =	vmand vm1, vm2  }
0x54: {  	v4 =	vsub.s32 v4, v0;
	_ =	sdelay $0x2  }
0x55: {  	s30 =	sadd.s32 $0x20, s29  }
0x56: {  	v5 =	vor.u32 s30, v3  }
0x57: {  	[tilespmem:v4+s21+$0x0] =	vst.idx.msk vm1, v5  }
0x58: {  	v4 =	vld [tilespmem:s0+$0x10];
	_ =	sdelay $0x4  }
0x59: {  	vm1 =	vge.s32 v4, v0;
	vm2 =	vlt.s32 v4, v1  }
0x5a: {  	vm1 =	vmand vm1, vm2  }
0x5b: {  	p0 =	sne.s32 s29, $0x3FC0;
	v4 =	vsub.s32 v4, v0  }
.Ltmp3:
0x5c: {  	_ = 	snop;
	(pc) =	sbr.rel @p0 .LBB2_4-.Ltmp3, $4  }
0x5d: {  	_ = 	snop  }
0x5e: {  	s31 =	sadd.s32 $0x30, s29  }
0x5f: {  	v5 =	vor.u32 s31, v3  }
0x60: {  	s29 =	sadd.s32 $0x40, s29;
	s0 =	sadd.s32 $0x40, s0;
	[tilespmem:v4+s21+$0x0] =	vst.idx.msk vm1, v5  }
0x61: {  	s0 =	sshra.s32 s28, $0x2  }
0x62: {  	v4 =	vld [tilespmem:s0+$0x14000];
	_ =	sdelay $0x4  }
0x63: {  	vm1 =	vgt.s32 v4, $0xFFFFFFFF  }
0x64: {  	v5 =	vmpcnt.ones.xlane vm1;
	_ =	sdelay $0x1  }
0x65: {  	v5 =	vxor.u32 $0x80000000, v5  }
0x66: {  	(xrf0) =	vmax.scan.msk.u32 $0xffff, v5;
	_ =	sdelay $0x5  }
0x67: {  	v5 =	vadd.s32 s14, v3;
	v6, _, _ =	vpop (xrf0)  }
0x68: {  	s31 =	sadd.s32 $0x40, s28;
	[tilespmem:s28+$0x14C80] =	vst.msk vm1, v5;
	(v2sf) =	vpush v6, $0xF  }
0x69: {  	s29 =	smov.u32 s14;
	s2 =	sshra.s32 s31, $0x2;
	s0 =	sadd.s32 $0x40, s31;
	[tilespmem:s28+$0x15980] =	vst.msk vm1, v4  }
.LBB2_6:
0x6a: {  	p0 =	sne.s32 s0, $0x30C0;
	v4 =	vld [tilespmem:s2+$0x14000];
	_ =	sdelay $0x4  }
0x6b: {  	vm1 =	vgt.s32 v4, $0xFFFFFFFF  }
0x6c: {  	v5 =	vmpcnt.ones.xlane vm1;
	_ =	sdelay $0x1  }
0x6d: {  	v5 =	vxor.u32 $0x80000000, v5  }
0x6e: {  	(xrf0) =	vmax.scan.msk.u32 $0xffff, v5;
	_ =	sdelay $0x3  }
.Ltmp4:
0x6f: {  	s2 =	spop (v2sf);
	(pc) =	sbr.rel @p0 .LBB2_6-.Ltmp4, $4  }
0x70: {  	s29 =	sadd.s32 $0x10, s29;
	s2 =	sadd.s32 s2, s28  }
0x71: {  	v5 =	vadd.s32 s29, v3;
	v6, _, _ =	vpop (xrf0);
	s28 =	sadd.s32 $0x80000000, s2  }
0x72: {  	[tilespmem:s28+$0x14C80] =	vst.msk vm1, v5;
	(v2sf) =	vpush v6, $0xF  }
0x73: {  	s2 =	sshra.s32 s0, $0x2;
	s0 =	sadd.s32 $0x40, s0;
	[tilespmem:s28+$0x15980] =	vst.msk vm1, v4  }
0x74: {  	v4 =	vld [tilespmem:s2+$0x14000];
	_ =	sdelay $0x4  }
0x75: {  	vm1 =	vgt.s32 v4, $0xFFFFFFFF  }
0x76: {  	v5 =	vmpcnt.ones.xlane vm1;
	_ =	sdelay $0x1  }
0x77: {  	v5 =	vxor.u32 $0x80000000, v5  }
0x78: {  	(xrf0) =	vmax.scan.msk.u32 $0xffff, v5;
	_ =	sdelay $0x5  }
0x79: {  	v5, _, _ =	vpop (xrf0)  }
0x7a: {  	(v2sf) =	vpush v5, $0xF;
	_ =	sdelay $0xc  }
0x7b: {  	s0 =	spop (v2sf)  }
0x7c: {  	s0 =	sadd.s32 s0, s28  }
0x7d: {  	s30 =	sadd.s32 $0x80000000, s0;
	s31 =	spop (v2sf)  }
0x7e: {  	s0 =	sadd.s32 s31, s30  }
0x7f: {  	s0 =	sadd.s32 $0x80000000, s0  }
0x80: {  	s2 =	sadd.s32 $0x7F, s0  }
0x81: {  	s24 =	sand.u32 $0x7F, s2  }
0x82: {  	s3 =	sshra.s32 s2, $0x1F;
	p1 =	slt.s32 s2, $0x1;
	p0 =	sne.s32 s24, $0x0  }
0x83: {  	s25 =	sadd.s32 $0x10, s29;
	s24 =	sshrl.u32 s3, $0x19;
	p0 =	por !p1, !p0  }
0x84: {  	s2 =	sadd.s32 s24, s2;
	s24 =	simm.s32 $0x1;
	p0 =	por !p0, !p0  }
0x85: {  	v5 =	vadd.s32 s25, v3;
	s2 =	sshra.s32 s2, $0x7;
	s24 =	simm.s32 @!p0 $0x0  }
0x86: {  	[tilespmem:s30+$0x14C80] =	vst.msk vm1, v5;
	s28 =	ssub.s32 s2, s24  }
0x87: {  	[tilespmem:s30+$0x15980] =	vst.msk vm1, v4;
	p0 =	slt.s32 s0, $0x1;
	v4 =	vmov s28  }
.Ltmp5:
0x88: {  	[tilespmem:$0x18680] =	vst v4;
	(pc) =	sbr.rel @p0 .LBB2_23-.Ltmp5, $4  }
0x89: {  	[hbm4b:s9+s4] =	stream.linear.scatter [tilespmem:s23], [sflag:$0x2], $0x80, $0x38;
	[tilespmem:$0x18700] =	vst v63  }
0x8a: {  	_ =	swait.ge [sflag:s15], $0x80  }
0x8b: {  	[sflag:s15] =	ssyncset.done $0x0  }
0x8c: {  	[sflag:s15] =	ssyncadd.s32 $0xFFFFFF80  }
0x8d: {  	s2 =	sshll.u32 s28, $0x7;
	s29 =	sand.u32 $0x7FFFFFF0, s0  }
0x8e: {  	s2 =	ssub.s32 s2, s29  }
0x8f: {  	s2 =	sshra.s32 s2, $0x4  }
0x90: {  	p0 =	slt.s32 s2, $0x1  }
.Ltmp6:
0x91: {  	_ = 	snop;
	(pc) =	sbr.rel @p0 .LBB2_15-.Ltmp6, $1  }
0x92: {  	_ =	sdelay $0x3  }
0x93: {  	v4 =	vld [tilespmem:$0x15980]  }
0x94: {  	v5 =	vld [tilespmem:$0x14C80];
	_ =	sdelay $0x3  }
0x95: {  	v4 =	vnsel vm0, $0x80000000, v4  }
0x96: {  	v5 =	vnsel vm0, $0x80000000, v5;
	v4 =	vxor.u32 $0x80000000, v4  }
0x97: {  	(xrf0) =	vmax.scan.msk.u32 $0xffff, v4;
	v4 =	vxor.u32 $0x80000000, v5  }
0x98: {  	(xrf0) =	vmax.scan.msk.u32 $0xffff, v4;
	_ =	sdelay $0x4  }
0x99: {  	v4, _, _ =	vpop (xrf0)  }
0x9a: {  	(v2sf) =	vpush v4, $0xF;
	v4, _, _ =	vpop (xrf0)  }
0x9b: {  	(v2sf) =	vpush v4, $0xF;
	_ =	sdelay $0xa  }
0x9c: {  	s24 =	sadd.s32 s30, s31  }
0x9d: {  	p1 =	sne.s32 s2, $0x1;
	s24 =	sshll.u32 s24, $0x2  }
.Ltmp7:
0x9e: {  	s24 =	sshra.s32 s24, $0x2;
	(pc) =	sbr.rel @!p1 .LBB2_10-.Ltmp7, $4  }
0x9f: {  	s24 =	sand.u32 $0xFFFFFFF0, s24;
	s25 =	spop (v2sf)  }
0xa0: {  	s30 =	sadd.s32 $0x14C80, s24;
	s31 =	spop (v2sf)  }
0xa1: {  	v7 =	vld [tilespmem:s30+$0x0];
	s25 =	sxor.u32 $0x80000000, s25;
	s3 =	sxor.u32 $0x80000000, s31;
	s31 =	sadd.s32 $0x15980, s24  }
0xa2: {  	p0 =	por $0x0, $0x0;
	v5 =	vmov s0;
	s0 =	sadd.s32 $0xFFFFFFFF, s2;
	v4 =	vmov s25;
	v6 =	vmov s3;
	v8 =	vld [tilespmem:s31+$0x0]  }
0xa3: {  	_ = 	snop  }
0xa4: {  	v9 =	vor.u32 s29, v3  }
0xa5: {  	p1 =	sne.s32 s0, $0x1;
	vm1 =	vlt.s32 v9, v5  }
.Ltmp8:
0xa6: {  	v7 =	vsel vm1, v7, v6;
	(pc) =	sbr.rel @!p1 .LBB2_12-.Ltmp8, $4  }
0xa7: {  	[tilespmem:s30+$0x0] =	vst v7;
	v7 =	vsel vm1, v8, v4  }
0xa8: {  	s30 =	sadd.s32 $0x10, s30;
	[tilespmem:s31+$0x0] =	vst v7  }
0xa9: {  	s31 =	sadd.s32 $0x10, s31;
	v7 =	vld [tilespmem:s30+$0x0]  }
0xaa: {  	s2 =	sadd.s32 $0xFFFFFFFF, s0;
	p0 =	por $0x1, $0x1;
	s0 =	smov.u32 s29;
	v8 =	vld [tilespmem:s31+$0x0]  }
.LBB2_13:
0xab: {  	p1 =	sne.s32 s2, $0x1;
	s0 =	sadd.s32 $0x10, s0  }
0xac: {  	v9 =	vor.u32 s0, v3  }
0xad: {  	vm1 =	vlt.s32 v9, v5  }
.Ltmp9:
0xae: {  	v7 =	vsel vm1, v7, v6;
	(pc) =	sbr.rel @p1 .LBB2_13-.Ltmp9, $4  }
0xaf: {  	[tilespmem:s30+$0x0] =	vst v7;
	v7 =	vsel vm1, v8, v4  }
0xb0: {  	s30 =	sadd.s32 $0x10, s30;
	[tilespmem:s31+$0x0] =	vst v7  }
0xb1: {  	s31 =	sadd.s32 $0x10, s31;
	v7 =	vld [tilespmem:s30+$0x0]  }
0xb2: {  	s2 =	sadd.s32 $0xFFFFFFFF, s2;
	v8 =	vld [tilespmem:s31+$0x0]  }
.LBB2_14:
0xb3: {  	s0 =	sadd.s32 @p0 $0x10, s0  }
0xb4: {  	s29 =	smov.u32 @p0 s0  }
0xb5: {  	v9 =	vor.u32 s29, v3  }
0xb6: {  	vm1 =	vlt.s32 v9, v5  }
0xb7: {  	v5 =	vsel vm1, v7, v6  }
0xb8: {  	v4 =	vsel vm1, v8, v4;
	[tilespmem:s30+$0x0] =	vst v5  }
0xb9: {  	[tilespmem:s31+$0x0] =	vst v4  }
.LBB2_15:
0xba: {  	p0 =	slt.s32 s28, $0x1  }
.Ltmp10:
0xbb: {  	_ = 	snop;
	(pc) =	sbr.rel @p0 .LBB2_22-.Ltmp10, $1  }
0xbc: {  	_ =	sdelay $0x3  }
0xbd: {  	s2 =	sshll.u32 s28, $0x3  }
0xbe: {  	p1 =	sne.s32 s2, $0x1  }
.Ltmp11:
0xbf: {  	_ = 	snop;
	(pc) =	sbr.rel @!p1 .LBB2_17-.Ltmp11, $4  }
0xc0: {  	s3 =	simm.s32 $0x14C80  }
0xc1: {  	v4 =	vld [tilespmem:s3+$0x0]  }
0xc2: {  	s29 =	simm.s32 $0x16680;
	s28 =	simm.s32 $0x17680  }
0xc3: {  	s0 =	simm.s32 $0x15980;
	p0 =	por $0x0, $0x0;
	s2 =	sadd.s32 $0xFFFFFFFF, s2  }
0xc4: {  	_ =	sdelay $0x1  }
0xc5: {  	[tilespmem:s29+$0x0] =	vst v4  }
0xc6: {  	v4 =	vld [tilespmem:s0+$0x0];
	_ =	sdelay $0x2  }
0xc7: {  	p1 =	sne.s32 s2, $0x1  }
.Ltmp12:
0xc8: {  	_ = 	snop;
	(pc) =	sbr.rel @!p1 .LBB2_19-.Ltmp12, $4  }
0xc9: {  	s24 =	simm.s32 $0x14C90;
	[tilespmem:s28+$0x0] =	vst v4  }
0xca: {  	v4 =	vld [tilespmem:s24+$0x0]  }
0xcb: {  	s25 =	sadd.s32 $0xFFFFFFFF, s2;
	p0 =	por $0x1, $0x1  }
0xcc: {  	s30 =	simm.s32 $0x16680;
	s2 =	simm.s32 $0x15980;
	s31 =	simm.s32 $0x17680  }
.LBB2_20:
0xcd: {  	p1 =	sne.s32 s25, $0x1;
	_ =	sdelay $0x2  }
0xce: {  	s30 =	sadd.s32 $0x10, s30  }
0xcf: {  	s2 =	sadd.s32 $0x10, s2;
	[tilespmem:s30+$0x0] =	vst v4  }
0xd0: {  	v4 =	vld [tilespmem:s2+$0x0];
	_ =	sdelay $0x1  }
.Ltmp13:
0xd1: {  	(pc) =	sbr.rel @p1 .LBB2_20-.Ltmp13, $4  }
0xd2: {  	_ = 	snop  }
0xd3: {  	s31 =	sadd.s32 $0x10, s31  }
0xd4: {  	s24 =	sadd.s32 $0x10, s24;
	[tilespmem:s31+$0x0] =	vst v4  }
0xd5: {  	s25 =	sadd.s32 $0xFFFFFFFF, s25;
	v4 =	vld [tilespmem:s24+$0x0]  }
.Ltmp14:
0xd6: {  	_ = 	snop;
	(pc) =	sbr.rel .LBB2_21-.Ltmp14, $1  }
0xd7: {  	_ =	sdelay $0x3  }
.LBB2_10:
.Ltmp15:
0xd8: {  	(pc) =	sbr.rel .LBB2_14-.Ltmp15, $2  }
0xd9: {  	_ =	sdelay $0x2  }
0xda: {  	s0 =	smov.u32 s29  }
.LBB2_12:
.Ltmp16:
0xdb: {  	(pc) =	sbr.rel .LBB2_14-.Ltmp16, $2  }
0xdc: {  	_ =	sdelay $0x2  }
0xdd: {  	s0 =	smov.u32 s29  }
.LBB2_19:
.Ltmp17:
0xde: {  	(pc) =	sbr.rel .LBB2_21-.Ltmp17, $2  }
0xdf: {  	_ =	sdelay $0x2  }
0xe0: {  	s30 =	simm.s32 $0x16680;
	s2 =	simm.s32 $0x15980;
	s31 =	simm.s32 $0x17680  }
.LBB2_24:
0xe1: {  	_ =	sfence.sel $0x180000  }
0xe2: {  	[bflag:$0x0] =	sbarrier.arrive $0xFFFF  }
0xe3: {  	_ =	strace $0x90000047  }
0xe4: {  	s0 =	stileid.u32;
	[bflag:$0x2] =	sbarrier.arrive $0xFFFF  }
0xe5: {  	p0 =	sne.s32 s0, $0x0;
	s0 =	rddreg [dreg:$0x3]  }
0xe6: {  	s0 =	sadd.s32 @!p0 $0x100000, s0  }
0xe7: {  	[sflag:s0] =	ssyncadd.tile.s32 @!p0 $0x1;
	_ =	shalt  }
.Lfunc_end2:
_tile_overlayer_lowered:
.L_overlay_start_2:
0xe8: {  	(tag) =	ssettag $0x2  }
0xe9: {  	s0 =	rddreg [dreg:$0x0];
	s2 =	stileid.u32  }
0xea: {  	s1 =	rddreg [dreg:$0x1];
	p0 =	sne.s32 s2, $0x0  }
0xeb: {  	s3 =	rddreg [dreg:$0x2];
	[bflag:$0x3] =	sbarrier.arrive $0xFFFF;
	s2 =	simm.s32 @!p0 $0x1C02  }
0xec: {  	[timem:s3], [sflag:s2] =	dma.local @!p0 [hbm:s0], s1  }
0xed: {  	s0 =	simm.s32 @!p0 $0x2  }
0xee: {  	_ =	swait.ge @!p0 [sflag:s0], s1  }
0xef: {  	s1 =	ssub.s32 @!p0 $0x0, s1;
	[sflag:s0] =	ssyncset.done @!p0 $0x0  }
0xf0: {  	[sflag:s0] =	ssyncadd.s32 @!p0 s1  }
0xf1: {  	[bflag:$0x3] =	sbarrier.arrive $0xFFFF  }
0xf2: {  	_ =	shalt  }

// kernel: kernel.8.cloned.1.call-start
scs
__scs_entry_jumppad:
0x0: {  	(pc) =	sbr.rel $0x88, $3  }
0x1: {  	(tag) =	ssettag $0x0;
	lr =	simm.s32 $0x1  }
0x2: {  	[smem:$0x3F9A] =	sst lr;
	_ =	strace $0xD0000000  }
0x3: {  	_ = 	snop  }
0x4: {  	_ = 	snop  }
0x5: {  	_ = 	snop  }
0x6: {  	_ = 	snop  }
0x7: {  	_ = 	snop  }
__scs_overlays_trampoline_lowered:
0x8: {  	[smem:$0x3FA9] =	sst s0  }
0x9: {  	[smem:$0x3FAA] =	sst s1  }
0xa: {  	[smem:$0x3FAB] =	sst s2  }
0xb: {  	[smem:$0x3FAC] =	sst s3  }
0xc: {  	[smem:$0x3FAD] =	sst s4  }
0xd: {  	[smem:$0x3FAE] =	sst s5  }
0xe: {  	[smem:$0x3FAF] =	sst s6  }
0xf: {  	[smem:$0x3FB0] =	sst s7  }
0x10: {  	[smem:$0x3FB1] =	sst s8  }
0x11: {  	[smem:$0x3FB2] =	sst s9;
	s0 =	simm.s32 @!p0 $0x0  }
0x12: {  	s1 =	sld [smem:$0x3F98];
	s0 =	simm.s32 @p0 $0x1  }
0x13: {  	[smem:$0x3FB3] =	sst s0;
	s0 =	simm.s32 @!p1 $0x0  }
0x14: {  	s2 =	sld [smem:$0x3F97];
	s0 =	simm.s32 @p1 $0x1  }
0x15: {  	[smem:$0x3FB4] =	sst s0;
	s0 =	simm.s32 @!p2 $0x0  }
0x16: {  	s3 =	sld [smem:$0x3FDB];
	s0 =	simm.s32 @p2 $0x1  }
0x17: {  	s4 =	simm.s32 $0x1BF5;
	[smem:$0x3FB6] =	sst s0  }
0x18: {  	s0 =	sld [smem:$0x3F99];
	_ =	swait.ge [sflag:s4], $0x0  }
0x19: {  	s7 =	sld [smem:$0x3F9A]  }
0x1a: {  	s8 =	sadd.s32 $0xFFFFE003, lr  }
0x1b: {  	s9 =	sadd.s32 $0xFFFFFEF7, lr;
	s5 =	simm.s32 $0xFFFFFFFF;
	p2 =	slt.u32 s8, $0xFFFFF086  }
0x1c: {  	p1 =	slt.u32 s9, $0xF7A;
	s5 =	simm.s32 @!p2 $0x0  }
0x1d: {  	s5 =	simm.s32 @p1 $0x1;
	p0 =	seq.s32 s7, s2  }
0x1e: {  	s7 =	smul.u32 @!p0 $0xF7A, s2;
	p2 =	seq.s32 @!p0 s5, $0x0  }
0x1f: {  	s9 =	smul.u32 $0xF7A, s1;
	s8 =	simm.s32 @!p0 $0x1BF5;
	p2 =	por !p2, p0  }
0x20: {  	[sflag:s8] =	ssyncset.s32 @!p0 $0xFFFFF086;
	s6 =	sadd.s32 @!p0 s3, s7;
	s7 =	simm.s32 @!p0 $0x108  }
0x21: {  	s3 =	sadd.s32 s3, s9;
	s6 =	sadd.s32 @!p0 $0x88, s6;
	s7 =	simm.s32 @p2 $0x1082  }
0x22: {  	[simem:s7], [sflag:s8] =	dma.local @!p0 [hbm:s6], $0xF7A  }
0x23: {  	s9 =	sor.u32 $0xD0000000, s2;
	s6 =	simm.s32 $0x108;
	_ =	swait.ge @!p0 [sflag:s8], $0x0  }
0x24: {  	s3 =	sadd.s32 $0x88, s3;
	s6 =	simm.s32 @!p1 $0x1082;
	[sflag:s4] =	ssyncset.s32 $0xFFFFF086  }
0x25: {  	[simem:s6], [sflag:s4] =	dma.local [hbm:s3], $0xF7A  }
0x26: {  	[smem:$0x3F9A] =	sst s1;
	(tag) =	ssettag s2;
	_ =	strace s9  }
0x27: {  	s1 =	sld [smem:$0x3FAA]  }
0x28: {  	s2 =	sld [smem:$0x3FAB]  }
0x29: {  	s4 =	sld [smem:$0x3FAD]  }
0x2a: {  	p0 =	seq.s32 s5, $0x0;
	s5 =	sld [smem:$0x3FAE]  }
0x2b: {  	s6 =	sld [smem:$0x3FAF]  }
0x2c: {  	s7 =	sld [smem:$0x3FB0]  }
0x2d: {  	s3 =	simm.s32 $0x108;
	s8 =	sld [smem:$0x3FB1]  }
0x2e: {  	s3 =	simm.s32 @!p0 $0x1082;
	s9 =	sld [smem:$0x3FB2]  }
0x2f: {  	lr =	sadd.s32 s0, s3;
	s0 =	sld [smem:$0x3FA9]  }
0x30: {  	s3 =	sld [smem:$0x3FAC]  }
0x31: {  	[smem:$0x3FB5] =	sst s10  }
0x32: {  	s10 =	sld [smem:$0x3FB3];
	_ =	sdelay $0x3  }
0x33: {  	p0 =	seq.s32 s10, $0x1;
	s10 =	sld [smem:$0x3FB5];
	_ =	sdelay $0x3  }
0x34: {  	[smem:$0x3FB5] =	sst s10  }
0x35: {  	s10 =	sld [smem:$0x3FB4];
	_ =	sdelay $0x3  }
0x36: {  	p1 =	seq.s32 s10, $0x1;
	s10 =	sld [smem:$0x3FB5];
	_ =	sdelay $0x3  }
0x37: {  	[smem:$0x3FB5] =	sst s10  }
0x38: {  	s10 =	sld [smem:$0x3FB6]  }
0x39: {  	_ = 	snop;
	(pc) =	sbr.ind lr, $3  }
0x3a: {  	_ = 	snop  }
0x3b: {  	_ = 	snop  }
0x3c: {  	p2 =	seq.s32 s10, $0x1;
	s10 =	sld [smem:$0x3FB5]  }
0x3d: {  	_ =	shalt  }
0x3e: {  	_ =	shalt  }
0x3f: {  	_ =	shalt  }
0x40: {  	_ =	shalt  }
0x41: {  	_ =	shalt  }
0x42: {  	_ =	shalt  }
0x43: {  	_ =	shalt  }
0x44: {  	_ =	shalt  }
0x45: {  	_ =	shalt  }
0x46: {  	_ =	shalt  }
0x47: {  	_ =	shalt  }
0x48: {  	_ =	shalt  }
0x49: {  	_ =	shalt  }
0x4a: {  	_ =	shalt  }
0x4b: {  	_ =	shalt  }
0x4c: {  	_ =	shalt  }
0x4d: {  	_ =	shalt  }
0x4e: {  	_ =	shalt  }
0x4f: {  	_ =	shalt  }
0x50: {  	_ =	shalt  }
0x51: {  	_ =	shalt  }
0x52: {  	_ =	shalt  }
0x53: {  	_ =	shalt  }
0x54: {  	_ =	shalt  }
0x55: {  	_ =	shalt  }
0x56: {  	_ =	shalt  }
0x57: {  	_ =	shalt  }
0x58: {  	_ =	shalt  }
0x59: {  	_ =	shalt  }
0x5a: {  	_ =	shalt  }
0x5b: {  	_ =	shalt  }
0x5c: {  	_ =	shalt  }
0x5d: {  	_ =	shalt  }
0x5e: {  	_ =	shalt  }
0x5f: {  	_ =	shalt  }
0x60: {  	_ =	shalt  }
0x61: {  	_ =	shalt  }
0x62: {  	_ =	shalt  }
0x63: {  	_ =	shalt  }
0x64: {  	_ =	shalt  }
0x65: {  	_ =	shalt  }
0x66: {  	_ =	shalt  }
0x67: {  	_ =	shalt  }
0x68: {  	_ =	shalt  }
0x69: {  	_ =	shalt  }
0x6a: {  	_ =	shalt  }
0x6b: {  	_ =	shalt  }
0x6c: {  	_ =	shalt  }
0x6d: {  	_ =	shalt  }
0x6e: {  	_ =	shalt  }
0x6f: {  	_ =	shalt  }
0x70: {  	_ =	shalt  }
0x71: {  	_ =	shalt  }
0x72: {  	_ =	shalt  }
0x73: {  	_ =	shalt  }
0x74: {  	_ =	shalt  }
0x75: {  	_ =	shalt  }
0x76: {  	_ =	shalt  }
0x77: {  	_ =	shalt  }
0x78: {  	_ =	shalt  }
0x79: {  	_ =	shalt  }
0x7a: {  	_ =	shalt  }
0x7b: {  	_ =	shalt  }
0x7c: {  	_ =	shalt  }
0x7d: {  	_ =	shalt  }
0x7e: {  	_ =	shalt  }
0x7f: {  	_ =	shalt  }
0x80: {  	_ =	shalt  }
0x81: {  	_ =	shalt  }
0x82: {  	_ =	shalt  }
0x83: {  	_ =	shalt  }
0x84: {  	_ =	shalt  }
0x85: {  	_ =	shalt  }
0x86: {  	_ =	shalt  }
0x87: {  	_ =	shalt  }
.Lfunc_end0:
.L_simem_size_0:
called_computation.1_lowered:
.L_overlay_start_0:
0x88: {  	s2 =	sld [smem:$0x3FD9]  }
0x89: {  	s3 =	sld [smem:$0x3FFE];
	_ =	sdelay $0x1  }
0x8a: {  	s1 =	srdreg.scid  }
0x8b: {  	s0 =	sand.u32 $0x1, s1  }
0x8c: {  	s17 =	sshll.u32 s0, $0xA;
	s2 =	sadd.s32 s3, s2  }
0x8d: {  	s2 =	sadd.s32 s2, s17  }
0x8e: {  	[smem:$0x3FC1] =	sst s2  }
0x8f: {  	_ = 	snop  }
0x90: {  	s2 =	sld [smem:$0x3FD0];
	(tm) =	ssettm $0x1  }
0x91: {  	s18 =	sld [smem:$0x3FFB];
	_ =	sdelay $0x3  }
0x92: {  	_ =	strace s18  }
0x93: {  	s3 =	sld [smem:$0x3FFC];
	_ =	sdelay $0x3  }
0x94: {  	_ =	strace s3  }
0x95: {  	s3 =	sld [smem:$0x3FFD];
	_ =	sdelay $0x3  }
0x96: {  	_ =	strace s3  }
0x97: {  	_ =	strace $0x8FFFFFFF  }
0x98: {  	s19 =	sld [smem:$0x3FDB];
	_ =	sdelay $0x1  }
0x99: {  	s4 =	simm.s32 $_scs_section_size  }
0x9a: {  	s5 =	simm.s32 $_size__tile_overlayer_lowered;
	s6 =	simm.s32 $_tile_overlayer_lowered  }
0x9b: {  	s22 =	simm.s32 $0x1BFF;
	s21 =	sshll.u32 s6, $0x1;
	s3 =	sadd.s32 s4, s19  }
0x9c: {  	s7 =	simm.s32 $0x0;
	s20 =	sshll.u32 s5, $0x1;
	s5 =	sadd.s32 s21, s3  }
0x9d: {  	[timem:s7], [sflag:s22] =	dma.local [hbm:s5], s20  }
0x9e: {  	_ =	swait.ge [sflag:s22], s20  }
0x9f: {  	s4 =	ssub.s32 $0x0, s20;
	[sflag:s22] =	ssyncset.done $0x0  }
0xa0: {  	[sflag:s22] =	ssyncadd.s32 s4;
	_ =	sdelay $0x1  }
0xa1: {  	s23 =	simm.s32 $0x1B8B  }
0xa2: {  	_ =	swait.ge [sflag:s23], $0x1  }
0xa3: {  	[sflag:s23] =	ssyncset.done $0x0  }
0xa4: {  	s25 =	simm.s32 $0x1B8E;
	s24 =	sld [smem:$0x3FFE];
	[sflag:s23] =	ssyncadd.s32 $0xFFFFFFFF  }
0xa5: {  	s26 =	simm.s32 $execute0_lowered;
	[smem:$0x3FD2] =	sst s25  }
0xa6: {  	s5 =	sshll.u32 s26, $0x1;
	_ =	strace $0x80000049;
	[dreg:$0x1] =	wrdreg $0xFFFFFFFF  }
0xa7: {  	s28 =	simm.s32 $_size_execute0_lowered;
	s3 =	sadd.s32 s3, s5;
	[dreg:$0x0] =	wrdreg $0x0  }
0xa8: {  	s5 =	sshll.u32 s28, $0x1;
	[dreg:$0x2] =	wrdreg s3  }
0xa9: {  	[dreg:$0x3] =	wrdreg s5  }
0xaa: {  	[dreg:$0x4] =	wrdreg $0xC0  }
0xab: {  	_ =	task [dreg:s7], $0x5FFFF  }
0xac: {  	[dreg:$0x1] =	wrdreg $0xFFFFFFFF  }
0xad: {  	[dreg:$0x0] =	wrdreg $0x60  }
0xae: {  	[dreg:$0x2] =	wrdreg s2  }
0xaf: {  	[dreg:$0x3] =	wrdreg s24  }
0xb0: {  	[dreg:$0x4] =	wrdreg $0x9  }
0xb1: {  	_ =	task.clear_ibuf [dreg:s7], $0x5FFFF;
	_ =	strace $0x90000049  }
0xb2: {  	s29 =	simm.s32 $0x9;
	_ =	strace $0x8000004B  }
0xb3: {  	_ =	swait.ge [sflag:s29], $0x1  }
0xb4: {  	[sflag:s29] =	ssyncadd.s32 $0xFFFFFFFF  }
0xb5: {  	_ =	strace $0x9000004B  }
0xb6: {  	_ =	sfence  }
0xb7: {  	s30 =	sld [smem:$0x0];
	_ =	sdelay $0x2  }
0xb8: {  	s31 =	sshll.u32 s1, $0xD;
	s1 =	sshrl.u32 s1, $0x2  }
0xb9: {  	s3 =	sand.u32 $0x4000, s31;
	s1 =	sadd.s32 s1, s30  }
0xba: {  	s0 =	sor.u32 s3, s0;
	s1 =	sshll.u32 s1, $0x11  }
0xbb: {  	s0 =	sor.u32 s1, s0  }
0xbc: {  	s0 =	sadd.s32 $0x8F2B, s0  }
0xbd: {  	[sflag:s0] =	ssyncadd.remote.s32 $0x1  }
0xbe: {  	_ =	sfence.sel $0xFFFF  }
0xbf: {  	[dreg:$0x0] =	wrdreg $0xFFFFFFFF;
	(pc) =	sbr.abs _section_cstart, $3  }
0xc0: {  	[dreg:$0x1] =	wrdreg $0xFFFFFFFF  }
0xc1: {  	_ =	task.clear_ibuf [dreg:s7], $0x2FFFF;
	_ =	strace $0x9FFFFFFF  }
0xc2: {  	(tm) =	ssettm $0x7FFFFFFF  }
0xc3: {  	_ =	shalt  }
tec
execute0_lowered:
.L_overlay_start_1:
0x0: {  	(tag) =	ssettag $0x1  }
0x1: {  	s1 =	rddreg [dreg:$0x0]  }
0x2: {  	s5 =	rddreg [dreg:$0x1]  }
0x3: {  	s0 =	rddreg [dreg:$0x2];
	s3 =	simm.s32 $0x0;
	s4 =	srdreg.scid  }
0x4: {  	s2 =	stileid.u32;
	s10 =	simm.s32 $0x3;
	s11 =	simm.s32 $0x1000  }
0x5: {  	s12 =	simm.s32 $0x80;
	s13 =	simm.s32 $0x2080;
	s14 =	simm.s32 $0x1  }
0x6: {  	s15 =	simm.s32 $0x2;
	s16 =	simm.s32 $0x0;
	[smem:$0x7FF] =	sst s3  }
0x7: {  	s6 =	sand.u32 $0x1, s4;
	s7 =	sshll.u32 s2, $0x1;
	s4 =	sadd.s32 $0x1A00, s5  }
.Ltmp0:
0x8: {  	_ =	strace $0x8000004A;
	s7 =	sor.u32 s6, s7;
	(pc) =	sbr.rel .LBB2_1-.Ltmp0, $4  }
0x9: {  	s6 =	ssub.s32 $0x2, s6;
	s8 =	sshll.u32 s7, $0x9;
	s7 =	sshll.u32 s7, $0x4  }
0xa: {  	s9 =	sshrl.u32 s6, $0x1;
	s8 =	sadd.s32 s8, s5;
	s5 =	sadd.s32 s7, s5  }
0xb: {  	s9 =	ssub.s32 s6, s9;
	s5 =	sadd.s32 $0x49A00, s5;
	s6 =	sadd.s32 $0x41A00, s8  }
0xc: {  	vm0 =	vmmov $0x1;
	s7 =	sadd.s32 $0x45A00, s8;
	s8 =	smax.u32 s9, $0x1;
	s9 =	simm.s32 $0x2000  }
.LBB2_7:
0xd: {  	[sflag:s15] =	ssyncadd.s32 $0xFFFFC000  }
.LBB2_8:
0xe: {  	s16 =	sadd.s32 $0x1, s16  }
0xf: {  	p0 =	sne.s32 s16, s8  }
.Ltmp1:
0x10: {  	_ = 	snop;
	(pc) =	sbr.rel @!p0 .LBB2_9-.Ltmp1, $1  }
0x11: {  	_ =	sdelay $0x3  }
.LBB2_1:
0x12: {  	[tilespmem:s9], [sflag:$0x3] =	stream.linear.gather [hbm4b:s5+s3], $0x80, $0x38;
	[tilespmem:$0x1A080] =	vst v63  }
0x13: {  	_ =	swait.ge [sflag:s10], $0x80  }
0x14: {  	[sflag:s10] =	ssyncset.done $0x0  }
0x15: {  	[sflag:s10] =	ssyncadd.s32 $0xFFFFFF80  }
0x16: {  	v0 =	vld [tilespmem:$0x2000];
	_ =	sdelay $0x4  }
0x17: {  	v0 =	vnsel vm0, $0x80000000, v0  }
0x18: {  	v0 =	vxor.u32 $0x80000000, v0  }
0x19: {  	(xrf0) =	vmax.scan.msk.u32 $0xffff, v0;
	_ =	sdelay $0x5  }
0x1a: {  	v0, _, _ =	vpop (xrf0)  }
0x1b: {  	(v2sf) =	vpush v0, $0xF;
	_ =	sdelay $0xe  }
0x1c: {  	s18 =	spop (v2sf)  }
0x1d: {  	s17 =	sxor.u32 $0x80000000, s18  }
0x1e: {  	p0 =	slt.s32 s17, $0x1  }
.Ltmp2:
0x1f: {  	_ = 	snop;
	(pc) =	sbr.rel @p0 .LBB2_8-.Ltmp2, $1  }
0x20: {  	_ =	sdelay $0x3  }
0x21: {  	[tilespmem:s3], [sflag:$0x3] =	stream.linear.gather [hbm4b:s6+s3], $0xD00, $0x38;
	[tilespmem:$0x1A080] =	vst v63  }
0x22: {  	_ =	swait.ge [sflag:s10], $0xD00  }
0x23: {  	[sflag:s10] =	ssyncset.done $0x0  }
0x24: {  	[sflag:s10] =	ssyncadd.s32 $0xFFFFF300  }
0x25: {  	[tilespmem:s11], [sflag:$0x3] =	stream.linear.gather [hbm4b:s7+s3], $0xD00, $0x38;
	[tilespmem:$0x1A080] =	vst v63  }
0x26: {  	_ =	swait.ge [sflag:s10], $0xD00  }
0x27: {  	p0 =	seq.s32 s18, $0x80000001;
	[sflag:s10] =	ssyncset.done $0x0  }
0x28: {  	s19 =	simm.s32 @!p0 $0x80;
	[sflag:s10] =	ssyncadd.s32 $0xFFFFF300  }
0x29: {  	[tilespmem:s13], [sflag:$0x1] =	stream.indirect.gather [hbm4b:s4+s12], $0x80, s11, s12, $0xb8;
	[tilespmem:$0x1A080] =	vst v63  }
0x2a: {  	s20 =	simm.s32 @!p0 $0x1080;
	s21 =	simm.s32 @!p0 $0x6080;
	p1 =	slt.u32 @!p0 s17, $0x3  }
0x2b: {  	[tilespmem:s21], [sflag:$0x1] =	stream.indirect.gather @!p0 [hbm4b:s4+s19], $0x80, s20, s19, $0xb8;
	[tilespmem:$0x1A080] =	vst v63  }
0x2c: {  	p0 =	por p1, p0  }
0x2d: {  	s19 =	simm.s32 @!p0 $0x80;
	s20 =	simm.s32 @!p0 $0x1100;
	s21 =	simm.s32 @!p0 $0xA080  }
0x2e: {  	[tilespmem:s21], [sflag:$0x1] =	stream.indirect.gather @!p0 [hbm4b:s4+s19], $0x80, s20, s19, $0xb8;
	[tilespmem:$0x1A080] =	vst v63  }
0x2f: {  	s19 =	simm.s32 $0x3;
	p0 =	sle.s32 s17, $0x3  }
0x30: {  	p1 =	por $0x1, $0x1;
	s21 =	smulhi.u32 @!p0 $0x2AAAAAAB, s19;
	s19 =	simm.s32 @!p0 $0x0  }
0x31: {  	s23 =	simm.s32 @!p1 $0x2;
	s20 =	simm.s32 $0x0;
	s22 =	smul.u32 @!p0 $0x2AAAAAAB, s19  }
0x32: {  	s31 =	smulhi.u32 $0xAAAAAAAB, s20;
	_ =	swait.ge @!p1 [sflag:s23], $0x4000  }
0x33: {  	[sflag:s23] =	ssyncset.done @!p1 $0x0;
	s21 =	sadd.s32 @!p0 s22, s21  }
0x34: {  	[sflag:s23] =	ssyncadd.s32 @!p1 $0xFFFFC000;
	s22 =	sshrl.u32 s31, $0x2;
	s24 =	sshrl.u32 @!p0 s21, $0x1F  }
0x35: {  	s22 =	smul.u32 $0xFFFA0000, s22;
	s21 =	sadd.s32 @!p0 s24, s21;
	p0 =	por p0, p0  }
0x36: {  	p1 =	sne.s32 s17, $0x1;
	_ =	swait.ge [sflag:s14], $0x4000;
	s23 =	smul.u32 @!p0 $0x6, s21  }
.Ltmp3:
0x37: {  	[sflag:s14] =	ssyncset.done $0x0;
	(pc) =	sbr.rel @!p1 .LBB2_4-.Ltmp3, $4  }
0x38: {  	s19 =	simm.s32 $0x1180;
	[sflag:s14] =	ssyncadd.s32 $0xFFFFC000;
	s23 =	ssub.s32 @!p0 $0x3, s23  }
0x39: {  	s24 =	simm.s32 $0x80;
	s22 =	sshra.s32 s22, $0x2;
	s23 =	sshll.u32 @!p0 s23, $0x10  }
0x3a: {  	s21 =	simm.s32 $0x1;
	s26 =	sadd.s32 $0x2080, s22;
	s23 =	sshra.s32 @!p0 s23, $0x2  }
0x3b: {  	s22 =	simm.s32 $0x6080;
	s25 =	sor.u32 @!p0 $0x2080, s23;
	s23 =	simm.s32 $0x1200  }
.LBB2_3:
0x3c: {  	[hbm4b:s1+s12] =	stream.indirect.scatter [tilespmem:s26], [sflag:$0x2], $0x80, s20, s12, $0xb8;
	[tilespmem:$0x1A080] =	vst v63  }
0x3d: {  	s26 =	sadd.s32 $0x3, s21;
	s28 =	smov.u32 s21  }
0x3e: {  	s21 =	sadd.s32 $0x1, s21;
	s20 =	smov.u32 s24;
	p2 =	sge.s32 s26, s17  }
0x3f: {  	p1 =	sne.s32 s17, s21;
	p3 =	slt.u32 s28, $0x3;
	s28 =	smulhi.u32 $0xAAAAAAAB, s28  }
0x40: {  	s31 =	simm.s32 @!p0 $0x80;
	s29 =	smulhi.u32 @!p2 $0x2AAAAAAB, s26;
	s30 =	sshra.s32 @!p2 s26, $0x1F  }
0x41: {  	s30 =	smul.u32 @!p2 $0x2AAAAAAB, s30;
	s28 =	sshrl.u32 s28, $0x2  }
0x42: {  	[tilespmem:s25], [sflag:$0x1] =	stream.indirect.gather @!p0 [hbm4b:s4+s31], $0x80, s19, s31, $0xb8;
	[tilespmem:$0x1A080] =	vst v63  }
0x43: {  	s25 =	simm.s32 @!p3 $0x2;
	s29 =	sadd.s32 @!p2 s30, s29;
	s19 =	smov.u32 s23  }
0x44: {  	s28 =	smul.u32 $0xFFFA0000, s28;
	s30 =	sshrl.u32 @!p2 s29, $0x1F;
	_ =	swait.ge @!p3 [sflag:s25], $0x4000  }
0x45: {  	p0 =	por p2, p2;
	s29 =	sadd.s32 @!p2 s30, s29;
	[sflag:s25] =	ssyncset.done @!p3 $0x0  }
0x46: {  	[sflag:s25] =	ssyncadd.s32 @!p3 $0xFFFFC000;
	s25 =	smul.u32 @!p0 $0x6, s29  }
.Ltmp4:
0x47: {  	_ =	swait.ge [sflag:s14], $0x4000;
	(pc) =	sbr.rel @p1 .LBB2_3-.Ltmp4, $4  }
0x48: {  	[sflag:s14] =	ssyncset.done $0x0;
	s25 =	ssub.s32 @!p0 s26, s25  }
0x49: {  	s26 =	sshra.s32 s28, $0x2;
	[sflag:s14] =	ssyncadd.s32 $0xFFFFC000;
	s25 =	sshll.u32 @!p0 s25, $0x10  }
0x4a: {  	s26 =	sadd.s32 s26, s22;
	s22 =	sadd.s32 $0x4000, s22;
	s25 =	sshra.s32 @!p0 s25, $0x2  }
0x4b: {  	s24 =	sadd.s32 $0x80, s24;
	s23 =	sadd.s32 $0x80, s23;
	s25 =	sor.u32 @!p0 $0x2080, s25  }
.LBB2_4:
0x4c: {  	[hbm4b:s1+s12] =	stream.indirect.scatter [tilespmem:s26], [sflag:$0x2], $0x80, s20, s12, $0xb8;
	[tilespmem:$0x1A080] =	vst v63  }
0x4d: {  	s20 =	simm.s32 @!p0 $0x80;
	s18 =	sadd.s32 $0x7FFFFFFD, s18  }
0x4e: {  	[tilespmem:s25], [sflag:$0x1] =	stream.indirect.gather @!p0 [hbm4b:s4+s20], $0x80, s19, s20, $0xb8;
	[tilespmem:$0x1A080] =	vst v63  }
0x4f: {  	p0 =	sgt.s32 s18, $0x0  }
0x50: {  	s18 =	simm.s32 @!p0 $0x0  }
0x51: {  	s17 =	ssub.s32 s17, s18  }
0x52: {  	p0 =	slt.s32 s17, $0x1  }
.Ltmp5:
0x53: {  	_ = 	snop;
	(pc) =	sbr.rel @p0 .LBB2_8-.Ltmp5, $1  }
0x54: {  	_ =	sdelay $0x3  }
0x55: {  	p0 =	sne.s32 s17, $0x1  }
.Ltmp6:
0x56: {  	_ = 	snop;
	(pc) =	sbr.rel @!p0 .LBB2_7-.Ltmp6, $3  }
0x57: {  	_ =	sdelay $0x1  }
0x58: {  	_ =	swait.ge [sflag:s15], $0x4000  }
0x59: {  	s17 =	sadd.s32 $0xFFFFFFFF, s17;
	[sflag:s15] =	ssyncset.done $0x0  }
.LBB2_6:
0x5a: {  	p0 =	sne.s32 s17, $0x1;
	s17 =	sadd.s32 $0xFFFFFFFF, s17;
	[sflag:s15] =	ssyncadd.s32 $0xFFFFC000  }
.Ltmp7:
0x5b: {  	(pc) =	sbr.rel @p0 .LBB2_6-.Ltmp7, $3  }
0x5c: {  	_ =	sdelay $0x1  }
0x5d: {  	_ =	swait.ge [sflag:s15], $0x4000  }
0x5e: {  	[sflag:s15] =	ssyncset.done $0x0  }
.Ltmp8:
0x5f: {  	_ = 	snop;
	(pc) =	sbr.rel .LBB2_7-.Ltmp8, $1  }
0x60: {  	_ =	sdelay $0x3  }
.LBB2_9:
0x61: {  	_ =	sfence.sel $0x180000  }
0x62: {  	[bflag:$0x0] =	sbarrier.arrive $0xFFFF  }
0x63: {  	p0 =	sne.s32 s2, $0x0;
	_ =	strace $0x9000004A  }
0x64: {  	s0 =	sadd.s32 @!p0 $0x100000, s0;
	[bflag:$0x2] =	sbarrier.arrive $0xFFFF  }
0x65: {  	[sflag:s0] =	ssyncadd.tile.s32 @!p0 $0x1;
	_ =	shalt  }
.Lfunc_end2:
_tile_overlayer_lowered:
.L_overlay_start_2:
0x66: {  	(tag) =	ssettag $0x2  }
0x67: {  	s0 =	rddreg [dreg:$0x0];
	s2 =	stileid.u32  }
0x68: {  	s1 =	rddreg [dreg:$0x1];
	p0 =	sne.s32 s2, $0x0  }
0x69: {  	s3 =	rddreg [dreg:$0x2];
	[bflag:$0x3] =	sbarrier.arrive $0xFFFF;
	s2 =	simm.s32 @!p0 $0x1C03  }
0x6a: {  	[timem:s3], [sflag:s2] =	dma.local @!p0 [hbm:s0], s1  }
0x6b: {  	s0 =	simm.s32 @!p0 $0x3  }
0x6c: {  	_ =	swait.ge @!p0 [sflag:s0], s1  }
0x6d: {  	s1 =	ssub.s32 @!p0 $0x0, s1;
	[sflag:s0] =	ssyncset.done @!p0 $0x0  }
0x6e: {  	[sflag:s0] =	ssyncadd.s32 @!p0 s1  }
0x6f: {  	[bflag:$0x3] =	sbarrier.arrive $0xFFFF  }
0x70: {  	_ =	shalt  }

</sc_bundles>
